<compile_context>
chip_gen: v7x
topology: tpu7x:2x2x1
jax: 0.10.2.dev20260603
libtpu: 0.0.44.dev20260713+nightly
codegen_flags: <defaults>
</compile_context>

<pallas_src>
import math

import jax
import jax.numpy as jnp
from jax import lax
from jax.experimental import pallas as pl
from jax.experimental.pallas import tpu as pltpu
from jax.experimental.pallas import tpu_sc as plsc

N = 10000
D = 128
E = 320000
NPAD = 10240
ALPHA = 0.5
BETA = math.log(2.0)
C1 = (1.0 - ALPHA) * (1.0 - BETA)
C2 = ALPHA * (1.0 - BETA)

NSC = 2
NTEC = 16

KA = 128
EPT_A = E // (NSC * NTEC)
NCHA = -(-EPT_A // KA)
EPT_A_PAD = NCHA * KA
ROWS_PER_TILE_A = NPAD // NTEC

KC = 64
GCH = 16
NGC = 10
NGRP = NSC * NTEC * NGC
EPT_C_PAD = NGC * GCH * KC
ROWS_PER_TILE_C = NPAD // NTEC
WW = D // 2

_mesh = plsc.VectorSubcoreMesh(core_axis_name="c", subcore_axis_name="s")


def _deg_body(col_hbm, out_hbm, hist_sh, idx_v, ones_v, zrow_v):
    c = lax.axis_index("c")
    s = lax.axis_index("s")
    t = c * NTEC + s
    base = s * ROWS_PER_TILE_A

    def fill_ones(i, carry):
        ones_v[pl.ds(i * 16, 16)] = jnp.ones((16,), jnp.float32)
        return carry

    lax.fori_loop(0, KA // 16, fill_ones, 0)

    def fill_zero(i, carry):
        zrow_v[pl.ds(i * 16, 16)] = jnp.zeros((16,), jnp.float32)
        return carry

    lax.fori_loop(0, ROWS_PER_TILE_A // 16, fill_zero, 0)

    pltpu.sync_copy(zrow_v, hist_sh.at[pl.ds(base, ROWS_PER_TILE_A)])
    pltpu.sync_copy(col_hbm.at[t], idx_v)
    plsc.subcore_barrier()

    def step(j, carry):
        pltpu.sync_copy(ones_v, hist_sh.at[idx_v.at[j]], add=True)
        return carry

    lax.fori_loop(0, NCHA, step, 0)
    plsc.subcore_barrier()
    pltpu.sync_copy(hist_sh.at[pl.ds(base, ROWS_PER_TILE_A)],
                    out_hbm.at[c, pl.ds(base, ROWS_PER_TILE_A)])


_deg_call = pl.kernel(
    _deg_body,
    out_type=jax.ShapeDtypeStruct((NSC, NPAD), jnp.float32),
    mesh=_mesh,
    scratch_types=[
        pltpu.VMEM_SHARED((NPAD,), jnp.float32),
        pltpu.VMEM((NCHA, KA), jnp.int32),
        pltpu.VMEM((KA,), jnp.float32),
        pltpu.VMEM((ROWS_PER_TILE_A,), jnp.float32),
    ],
)


def _scatter_body(y_hbm, row_hbm, col_hbm, out_hbm,
                  agg_sh, ridx_v, cidx_v, braw0_v, braw1_v, f0_v, f1_v,
                  gs0, gs1, ss0, ss1):
    c = lax.axis_index("c")
    s = lax.axis_index("s")
    base = s * ROWS_PER_TILE_C

    def zrow(r, carry):
        def zlane(k, inner):
            f0_v[r, pl.ds(k * 16, 16)] = jnp.zeros((16,), jnp.float32)
            return inner
        return lax.fori_loop(0, D // 16, zlane, carry)

    lax.fori_loop(0, KC, zrow, 0)

    def zcopy(k, carry):
        pltpu.sync_copy(f0_v, agg_sh.at[pl.ds(base + k * KC, KC)])
        return carry

    lax.fori_loop(0, ROWS_PER_TILE_C // KC, zcopy, 0)
    plsc.subcore_barrier()

    def gat_start(j, buf, sem):
        pltpu.async_copy(y_hbm.at[ridx_v.at[j]], buf, sem)

    def gat_wait(j, buf, sem):
        pltpu.make_async_copy(y_hbm.at[ridx_v.at[j]], buf, sem).wait()

    def sca_start(j, buf, sem):
        pltpu.async_copy(buf, agg_sh.at[cidx_v.at[j]], sem, add=True)

    def sca_wait(j, buf, sem):
        pltpu.make_async_copy(buf, agg_sh.at[cidx_v.at[j]], sem).wait()

    def convert(braw, fbuf):
        def conv(r, carry):
            for q in range(WW // 16):
                w = braw[r, pl.ds(q * 16, 16)]
                lo = plsc.bitcast(w << 16, jnp.float32)
                hi = plsc.bitcast(w & jnp.int32(-65536), jnp.float32)
                fbuf[r, pl.ds(q * 32, 16)] = lo
                fbuf[r, pl.ds(q * 32 + 16, 16)] = hi
            return carry
        lax.fori_loop(0, KC, conv, 0)

    t = c * NTEC + s

    def group(g, carry):
        tg = t * NGC + g
        pltpu.sync_copy(row_hbm.at[tg], ridx_v)
        pltpu.sync_copy(col_hbm.at[tg], cidx_v)
        gat_start(0, braw0_v, gs0)

        def pair(jj, inner):
            j0 = 2 * jj
            gat_start(j0 + 1, braw1_v, gs1)
            gat_wait(j0, braw0_v, gs0)

            @pl.when(jj > 0)
            def _():
                sca_wait(j0, f0_v, ss0)

            convert(braw0_v, f0_v)
            sca_start(j0, f0_v, ss0)

            @pl.when(jj < GCH // 2 - 1)
            def _():
                gat_start(j0 + 2, braw0_v, gs0)

            gat_wait(j0 + 1, braw1_v, gs1)

            @pl.when(jj > 0)
            def _():
                sca_wait(j0, f1_v, ss1)

            convert(braw1_v, f1_v)
            sca_start(j0 + 1, f1_v, ss1)
            return inner

        lax.fori_loop(0, GCH // 2, pair, 0)
        sca_wait(0, f0_v, ss0)
        sca_wait(0, f1_v, ss1)
        return carry

    lax.fori_loop(0, NGC, group, 0)
    plsc.subcore_barrier()

    pltpu.sync_copy(agg_sh.at[pl.ds(base, ROWS_PER_TILE_C)],
                    out_hbm.at[c, pl.ds(base, ROWS_PER_TILE_C)])


_scatter_call = pl.kernel(
    _scatter_body,
    out_type=jax.ShapeDtypeStruct((NSC, NPAD, D), jnp.float32),
    mesh=_mesh,
    compiler_params=pltpu.CompilerParams(use_tc_tiling_on_sc=False,
                                         needs_layout_passes=False),
    scratch_types=[
        pltpu.VMEM_SHARED((NPAD, D), jnp.float32),
        pltpu.VMEM((GCH, KC), jnp.int32),
        pltpu.VMEM((GCH, KC), jnp.int32),
        pltpu.VMEM((KC, WW), jnp.int32),
        pltpu.VMEM((KC, WW), jnp.int32),
        pltpu.VMEM((KC, D), jnp.float32),
        pltpu.VMEM((KC, D), jnp.float32),
        pltpu.SemaphoreType.DMA,
        pltpu.SemaphoreType.DMA,
        pltpu.SemaphoreType.DMA,
        pltpu.SemaphoreType.DMA,
    ],
)


def _prep_body(degp_ref, x_ref, y_ref):
    deg = degp_ref[0, :] + degp_ref[1, :] + 1.0
    dis = lax.rsqrt(deg)
    y_ref[...] = (x_ref[...] * dis[:, None]).astype(jnp.bfloat16)


def _out_body(degp_ref, agg_ref, x_ref, x0_ref, w1_ref, w2_ref, o_ref):
    deg = degp_ref[0, :] + degp_ref[1, :] + 1.0
    dis = lax.rsqrt(deg)
    agg_raw = agg_ref[0] + agg_ref[1]
    agg = agg_raw * dis[:, None] + x_ref[...] * (1.0 / deg)[:, None]
    x0 = x0_ref[...]
    out = C1 * agg + BETA * jnp.dot(agg, w1_ref[...],
                                    preferred_element_type=jnp.float32)
    out = out + C2 * x0 + BETA * jnp.dot(x0, w2_ref[...],
                                         preferred_element_type=jnp.float32)
    o_ref[...] = jnp.maximum(out, 0.0)


_GB = 1024
_NB = NPAD // _GB

_prep_call = pl.pallas_call(
    _prep_body,
    grid=(_NB,),
    in_specs=[
        pl.BlockSpec((NSC, _GB), lambda i: (0, i)),
        pl.BlockSpec((_GB, D), lambda i: (i, 0)),
    ],
    out_specs=pl.BlockSpec((_GB, D), lambda i: (i, 0)),
    out_shape=jax.ShapeDtypeStruct((NPAD, D), jnp.bfloat16),
)

_out_call = pl.pallas_call(
    _out_body,
    grid=(_NB,),
    in_specs=[
        pl.BlockSpec((NSC, _GB), lambda i: (0, i)),
        pl.BlockSpec((NSC, _GB, D), lambda i: (0, i, 0)),
        pl.BlockSpec((_GB, D), lambda i: (i, 0)),
        pl.BlockSpec((_GB, D), lambda i: (i, 0)),
        pl.BlockSpec((D, D), lambda i: (0, 0)),
        pl.BlockSpec((D, D), lambda i: (0, 0)),
    ],
    out_specs=pl.BlockSpec((_GB, D), lambda i: (i, 0)),
    out_shape=jax.ShapeDtypeStruct((NPAD, D), jnp.float32),
)


def kernel(x, x_0, edge_index, W1, W2):
    row = edge_index[0].astype(jnp.int32)
    col = edge_index[1].astype(jnp.int32)

    colA = jnp.pad(col, (0, NSC * NTEC * EPT_A_PAD - E),
                   constant_values=N).reshape(NSC * NTEC, NCHA, KA)

    epad = NSC * NTEC * EPT_C_PAD - E
    rowC = jnp.pad(row, (0, epad),
                   constant_values=0).reshape(NGRP, GCH, KC)
    colC = jnp.pad(col, (0, epad), constant_values=N + (NPAD - N) // 2)
    colC = colC.reshape(NGRP, GCH, KC)

    x_pad = jnp.pad(x, ((0, NPAD - N), (0, 0)))
    x0_pad = jnp.pad(x_0, ((0, NPAD - N), (0, 0)))

    degp = _deg_call(colA)
    yb = _prep_call(degp, x_pad)
    ybs = yb.reshape(NPAD, 4, 2, 16).transpose(0, 1, 3, 2)
    y_i32 = jax.lax.bitcast_convert_type(
        ybs.reshape(NPAD, WW, 2), jnp.int32)
    agg2 = _scatter_call(y_i32, rowC, colC)
    out = _out_call(degp, agg2, x_pad, x0_pad, W1, W2)
    return out[:N]

# --- scband reference (transcript-rebuilt; emitter-appended) ---
"""Pipeline reference for scband-gcniiconv-6150393168666 (READ-ONLY COPY).

The authoritative reference and input builder live on the scoring server;
editing this copy changes nothing except your own understanding.
"""

import jax, jax.numpy as jnp
import numpy as np
import math

N_NODES = 10000
N_EDGES = 320000
D = 128
ALPHA = 0.5
THETA = 1.0
LAYER = 1
BETA = math.log(THETA / LAYER + 1.0)


def _glorot(key, shape):
    fan_in, fan_out = shape[0], shape[1]
    limit = math.sqrt(6.0 / (fan_in + fan_out))
    return jax.random.uniform(key, shape, minval=-limit, maxval=limit, dtype=jnp.float32)


def setup_inputs(seed: int = 0) -> dict:
    key = jax.random.key(seed)
    k1, k2, k3, k4, k5 = jax.random.split(key, 5)
    x = jax.random.normal(k1, (N_NODES, D), dtype=jnp.float32)
    x_0 = jax.random.normal(k2, (N_NODES, D), dtype=jnp.float32)
    edge_index = jax.random.randint(k3, (2, N_EDGES), 0, N_NODES, dtype=jnp.int64 if jax.config.jax_enable_x64 else jnp.int32).astype(jnp.int32)
    W1 = _glorot(k4, (D, D))
    W2 = _glorot(k5, (D, D))
    return {"x": x, "x_0": x_0, "edge_index": edge_index, "W1": W1, "W2": W2}


def reference(x, x_0, edge_index, W1, W2):
    N = x.shape[0]
    row = edge_index[0]
    col = edge_index[1]
    # gcn_norm: add self-loops with edge_weight = 1
    loop = jnp.arange(N, dtype=row.dtype)
    row = jnp.concatenate([row, loop], axis=0)
    col = jnp.concatenate([col, loop], axis=0)
    ew = jnp.ones(row.shape[0], dtype=x.dtype)
    # degree on target (col) index
    deg = jnp.zeros((N,), dtype=x.dtype).at[col].add(ew)
    deg_inv_sqrt = jnp.where(deg > 0, deg ** -0.5, 0.0)
    norm = deg_inv_sqrt[row] * ew * deg_inv_sqrt[col]
    # propagate: message = norm * x[src]; scatter-add at dst
    msgs = norm[:, None] * jnp.take(x, row, axis=0)
    agg = jnp.zeros_like(x).at[col].add(msgs)
    # GCNII* (shared_weights=False):
    # out = (1-alpha)(1-beta)*agg + beta*agg@W1 + alpha*(1-beta)*x_0 + beta*x_0@W2
    out = (1.0 - ALPHA) * (1.0 - BETA) * agg + BETA * (agg @ W1)
    out = out + ALPHA * (1.0 - BETA) * x_0 + BETA * (x_0 @ W2)
    # unlinear: ReLU activation
    return jax.nn.relu(out)

if __name__ == "__main__":
    import jax
    _d = setup_inputs()
    print(jax.jit(kernel)(*tuple(_d.values())))

</pallas_src>

<mosaic_0001>
#map = affine_map<(d0, d1) -> (0, 0, 0)>
#map1 = affine_map<(d0, d1) -> (0, 0)>
module attributes {stable_mosaic.version = 14 : i64} {
  func.func @_deg_body(%arg0: i32, %arg1: i32, %arg2: memref<32x79x128xi32, #tpu.memory_space<hbm>>, %arg3: memref<2x10240xf32, #tpu.memory_space<hbm>>, %arg4: memref<10240xf32, #tpu.memory_space<vmem_shared>>, %arg5: memref<79x128xi32, #tpu.memory_space<vmem>>, %arg6: memref<128xf32, #tpu.memory_space<vmem>>, %arg7: memref<640xf32, #tpu.memory_space<vmem>>) attributes {dimension_semantics = [#tpu.dimension_semantics<core_parallel>, #tpu.dimension_semantics<subcore_parallel>], iteration_bounds = array<i64: 2, 16>, scalar_prefetch = 0 : i64, scratch_operands = 4 : i64, tpu.core_type = #tpu.core_type<sc_vector_subcore>, window_params = [{transform_indices = #map}, {transform_indices = #map1}]} {
    %mul3A = arith.constant 16 : i32
    %mul3A_0 = arith.muli %arg0, %mul3A : i32
    %add3A = arith.addi %mul3A_0, %arg1 : i32
    %mul3A_1 = arith.constant 640 : i32
    %mul3A_2 = arith.muli %arg1, %mul3A_1 : i32
    %scan3A = arith.constant 0 : i32
    %scan3A_3 = arith.constant 0 : i32
    %scan3A_4 = arith.constant 8 : i32
    %scan3A_5 = arith.addi %scan3A_3, %scan3A_4 : i32
    %scan3A_6 = arith.constant 1 : i32
    scf.for %scan3A_21 = %scan3A_3 to %scan3A_5 step %scan3A_6  : i32 {
      %broadcast_in_dim3A = arith.constant 1.000000e+00 : f32
      %broadcast_in_dim3A_22 = vector.broadcast %broadcast_in_dim3A : f32 to vector<16xf32>
      %mul3A_23 = arith.constant 16 : i32
      %mul3A_24 = arith.muli %scan3A_21, %mul3A_23 : i32
      %swap3A = arith.index_cast %mul3A_24 : i32 to index
      %swap3A_25 = tpu.vector_load %arg6[%swap3A] {strides = array<i32>} : memref<128xf32, #tpu.memory_space<vmem>>, vector<16xf32>,
      %swap3A_26 = vector.shape_cast %swap3A_25 : vector<16xf32> to vector<16xf32>
      %swap3A_27 = vector.shape_cast %broadcast_in_dim3A_22 : vector<16xf32> to vector<16xf32>
      tpu.vector_store %arg6[%swap3A], %swap3A_27 {strides = array<i32>} : memref<128xf32, #tpu.memory_space<vmem>>, vector<16xf32>,
    }
    %scan3A_7 = arith.constant 8 : i32
    %scan3A_8 = arith.constant 0 : i32
    %scan3A_9 = arith.constant 0 : i32
    %scan3A_10 = arith.constant 40 : i32
    %scan3A_11 = arith.addi %scan3A_9, %scan3A_10 : i32
    %scan3A_12 = arith.constant 1 : i32
    scf.for %scan3A_21 = %scan3A_9 to %scan3A_11 step %scan3A_12  : i32 {
      %broadcast_in_dim3A = arith.constant 0.000000e+00 : f32
      %broadcast_in_dim3A_22 = vector.broadcast %broadcast_in_dim3A : f32 to vector<16xf32>
      %mul3A_23 = arith.constant 16 : i32
      %mul3A_24 = arith.muli %scan3A_21, %mul3A_23 : i32
      %swap3A = arith.index_cast %mul3A_24 : i32 to index
      %swap3A_25 = tpu.vector_load %arg7[%swap3A] {strides = array<i32>} : memref<640xf32, #tpu.memory_space<vmem>>, vector<16xf32>,
      %swap3A_26 = vector.shape_cast %swap3A_25 : vector<16xf32> to vector<16xf32>
      %swap3A_27 = vector.shape_cast %broadcast_in_dim3A_22 : vector<16xf32> to vector<16xf32>
      tpu.vector_store %arg7[%swap3A], %swap3A_27 {strides = array<i32>} : memref<640xf32, #tpu.memory_space<vmem>>, vector<16xf32>,
    }
    %scan3A_13 = arith.constant 40 : i32
    "tpu.region"() ({
      %run_scoped3A = tpu.sem_alloc : memref<!tpu.dma_semaphore, #tpu.memory_space<semaphore_mem>>
      %dma_start3A = tpu.memref_slice %arg4[%mul3A_2] : memref<10240xf32, #tpu.memory_space<vmem_shared>> -> memref<640xf32, #tpu.memory_space<vmem_shared>>
      %dma_start3A_21 = tpu.memref_slice %arg4[%mul3A_2] : memref<10240xf32, #tpu.memory_space<vmem_shared>> -> memref<640xf32, #tpu.memory_space<vmem_shared>>
      tpu.enqueue_dma source(%arg7 : memref<640xf32, #tpu.memory_space<vmem>>) target(%dma_start3A_21 : memref<640xf32, #tpu.memory_space<vmem_shared>>) target_semaphore(%run_scoped3A : memref<!tpu.dma_semaphore, #tpu.memory_space<semaphore_mem>>)
      %dma_wait3A = tpu.memref_slice %arg4[%mul3A_2] : memref<10240xf32, #tpu.memory_space<vmem_shared>> -> memref<640xf32, #tpu.memory_space<vmem_shared>>
      %dma_wait3A_22 = tpu.memref_slice %arg4[%mul3A_2] : memref<10240xf32, #tpu.memory_space<vmem_shared>> -> memref<640xf32, #tpu.memory_space<vmem_shared>>
      tpu.wait_dma2 semaphore(%run_scoped3A : memref<!tpu.dma_semaphore, #tpu.memory_space<semaphore_mem>>) src(%arg7 : memref<640xf32, #tpu.memory_space<vmem>>) dst(%dma_wait3A_22 : memref<640xf32, #tpu.memory_space<vmem_shared>>)
      tpu.yield
    }) : () -> ()
    "tpu.region"() ({
      %run_scoped3A = tpu.sem_alloc : memref<!tpu.dma_semaphore, #tpu.memory_space<semaphore_mem>>
      %dma_start3A = arith.constant 0 : i32
      %dma_start3A_21 = arith.constant 0 : i32
      %dma_start3A_22 = tpu.memref_slice %arg2[%add3A, %dma_start3A, %dma_start3A_21] : memref<32x79x128xi32, #tpu.memory_space<hbm>> -> memref<1x79x128xi32, #tpu.memory_space<hbm>>
      %dma_start3A_23 = tpu.memref_squeeze %dma_start3A_22 : memref<1x79x128xi32, #tpu.memory_space<hbm>> -> memref<79x128xi32, #tpu.memory_space<hbm>>
      %dma_start3A_24 = arith.constant 0 : i32
      %dma_start3A_25 = arith.constant 0 : i32
      %dma_start3A_26 = tpu.memref_slice %arg2[%add3A, %dma_start3A_24, %dma_start3A_25] : memref<32x79x128xi32, #tpu.memory_space<hbm>> -> memref<1x79x128xi32, #tpu.memory_space<hbm>>
      %dma_start3A_27 = tpu.memref_squeeze %dma_start3A_26 : memref<1x79x128xi32, #tpu.memory_space<hbm>> -> memref<79x128xi32, #tpu.memory_space<hbm>>
      tpu.enqueue_dma source(%dma_start3A_27 : memref<79x128xi32, #tpu.memory_space<hbm>>) target(%arg5 : memref<79x128xi32, #tpu.memory_space<vmem>>) target_semaphore(%run_scoped3A : memref<!tpu.dma_semaphore, #tpu.memory_space<semaphore_mem>>)
      %dma_wait3A = arith.constant 0 : i32
      %dma_wait3A_28 = arith.constant 0 : i32
      %dma_wait3A_29 = tpu.memref_slice %arg2[%add3A, %dma_wait3A, %dma_wait3A_28] : memref<32x79x128xi32, #tpu.memory_space<hbm>> -> memref<1x79x128xi32, #tpu.memory_space<hbm>>
      %dma_wait3A_30 = tpu.memref_squeeze %dma_wait3A_29 : memref<1x79x128xi32, #tpu.memory_space<hbm>> -> memref<79x128xi32, #tpu.memory_space<hbm>>
      %dma_wait3A_31 = arith.constant 0 : i32
      %dma_wait3A_32 = arith.constant 0 : i32
      %dma_wait3A_33 = tpu.memref_slice %arg2[%add3A, %dma_wait3A_31, %dma_wait3A_32] : memref<32x79x128xi32, #tpu.memory_space<hbm>> -> memref<1x79x128xi32, #tpu.memory_space<hbm>>
      %dma_wait3A_34 = tpu.memref_squeeze %dma_wait3A_33 : memref<1x79x128xi32, #tpu.memory_space<hbm>> -> memref<79x128xi32, #tpu.memory_space<hbm>>
      tpu.wait_dma2 semaphore(%run_scoped3A : memref<!tpu.dma_semaphore, #tpu.memory_space<semaphore_mem>>) src(%dma_wait3A_34 : memref<79x128xi32, #tpu.memory_space<hbm>>) dst(%arg5 : memref<79x128xi32, #tpu.memory_space<vmem>>)
      tpu.yield
    }) : () -> ()
    %barrier3A = arith.constant 0 : index
    tpu.barrier barrier_id(%barrier3A)
    %scan3A_14 = arith.constant 0 : i32
    %scan3A_15 = arith.constant 0 : i32
    %scan3A_16 = arith.constant 79 : i32
    %scan3A_17 = arith.addi %scan3A_15, %scan3A_16 : i32
    %scan3A_18 = arith.constant 1 : i32
    scf.for %scan3A_21 = %scan3A_15 to %scan3A_17 step %scan3A_18  : i32 {
      "tpu.region"() ({
        %run_scoped3A = tpu.sem_alloc : memref<!tpu.dma_semaphore, #tpu.memory_space<semaphore_mem>>
        %dma_start3A = arith.constant 0 : i32
        %dma_start3A_22 = tpu.memref_slice %arg5[%scan3A_21, %dma_start3A] : memref<79x128xi32, #tpu.memory_space<vmem>> -> memref<1x128xi32, #tpu.memory_space<vmem>>
        %dma_start3A_23 = tpu.memref_squeeze %dma_start3A_22 : memref<1x128xi32, #tpu.memory_space<vmem>> -> memref<128xi32, #tpu.memory_space<vmem>>
        %dma_start3A_24 = arith.constant 0 : i32
        %dma_start3A_25 = tpu.memref_slice %arg4[%dma_start3A_24] : memref<10240xf32, #tpu.memory_space<vmem_shared>> -> memref<10240xf32, #tpu.memory_space<vmem_shared>>
        tpu.enqueue_indirect_dma source(%arg6 : memref<128xf32, #tpu.memory_space<vmem>>) target(%dma_start3A_25 : memref<10240xf32, #tpu.memory_space<vmem_shared>>) offsets(%dma_start3A_23 : memref<128xi32, #tpu.memory_space<vmem>>) semaphore(%run_scoped3A : memref<!tpu.dma_semaphore, #tpu.memory_space<semaphore_mem>>) {add = true}
        %dma_wait3A = arith.constant 0 : i32
        %dma_wait3A_26 = tpu.memref_slice %arg5[%scan3A_21, %dma_wait3A] : memref<79x128xi32, #tpu.memory_space<vmem>> -> memref<1x128xi32, #tpu.memory_space<vmem>>
        %dma_wait3A_27 = tpu.memref_squeeze %dma_wait3A_26 : memref<1x128xi32, #tpu.memory_space<vmem>> -> memref<128xi32, #tpu.memory_space<vmem>>
        %dma_wait3A_28 = arith.constant 0 : i32
        %dma_wait3A_29 = tpu.memref_slice %arg4[%dma_wait3A_28] : memref<10240xf32, #tpu.memory_space<vmem_shared>> -> memref<10240xf32, #tpu.memory_space<vmem_shared>>
        tpu.wait_indirect_dma semaphore(%run_scoped3A : memref<!tpu.dma_semaphore, #tpu.memory_space<semaphore_mem>>) src(%arg6 : memref<128xf32, #tpu.memory_space<vmem>>) dst(%dma_wait3A_29 : memref<10240xf32, #tpu.memory_space<vmem_shared>>)
        tpu.yield
      }) : () -> ()
    }
    %scan3A_19 = arith.constant 79 : i32
    %barrier3A_20 = arith.constant 0 : index
    tpu.barrier barrier_id(%barrier3A_20)
    "tpu.region"() ({
      %run_scoped3A = tpu.sem_alloc : memref<!tpu.dma_semaphore, #tpu.memory_space<semaphore_mem>>
      %dma_start3A = tpu.memref_slice %arg3[%arg0, %mul3A_2] : memref<2x10240xf32, #tpu.memory_space<hbm>> -> memref<1x640xf32, #tpu.memory_space<hbm>>
      %dma_start3A_21 = tpu.memref_squeeze %dma_start3A : memref<1x640xf32, #tpu.memory_space<hbm>> -> memref<640xf32, #tpu.memory_space<hbm>>
      %dma_start3A_22 = tpu.memref_slice %arg4[%mul3A_2] : memref<10240xf32, #tpu.memory_space<vmem_shared>> -> memref<640xf32, #tpu.memory_space<vmem_shared>>
      tpu.enqueue_dma source(%dma_start3A_22 : memref<640xf32, #tpu.memory_space<vmem_shared>>) target(%dma_start3A_21 : memref<640xf32, #tpu.memory_space<hbm>>) target_semaphore(%run_scoped3A : memref<!tpu.dma_semaphore, #tpu.memory_space<semaphore_mem>>)
      %dma_wait3A = tpu.memref_slice %arg3[%arg0, %mul3A_2] : memref<2x10240xf32, #tpu.memory_space<hbm>> -> memref<1x640xf32, #tpu.memory_space<hbm>>
      %dma_wait3A_23 = tpu.memref_squeeze %dma_wait3A : memref<1x640xf32, #tpu.memory_space<hbm>> -> memref<640xf32, #tpu.memory_space<hbm>>
      %dma_wait3A_24 = tpu.memref_slice %arg4[%mul3A_2] : memref<10240xf32, #tpu.memory_space<vmem_shared>> -> memref<640xf32, #tpu.memory_space<vmem_shared>>
      tpu.wait_dma2 semaphore(%run_scoped3A : memref<!tpu.dma_semaphore, #tpu.memory_space<semaphore_mem>>) src(%dma_wait3A_24 : memref<640xf32, #tpu.memory_space<vmem_shared>>) dst(%dma_wait3A_23 : memref<640xf32, #tpu.memory_space<hbm>>)
      tpu.yield
    }) : () -> ()
    return
  }
}

#map = affine_map<(d0, d1) -> (0, 0)>
#map1 = affine_map<(d0, d1) -> (0, 0, 0)>
module attributes {stable_mosaic.version = 14 : i64} {
  func.func @_scatter_body(%arg0: i32, %arg1: i32, %arg2: memref<10240x64xi32, #tpu.memory_space<hbm>>, %arg3: memref<320x16x64xi32, #tpu.memory_space<hbm>>, %arg4: memref<320x16x64xi32, #tpu.memory_space<hbm>>, %arg5: memref<2x10240x128xf32, #tpu.memory_space<hbm>>, %arg6: memref<10240x128xf32, #tpu.memory_space<vmem_shared>>, %arg7: memref<16x64xi32, #tpu.memory_space<vmem>>, %arg8: memref<16x64xi32, #tpu.memory_space<vmem>>, %arg9: memref<64x64xi32, #tpu.memory_space<vmem>>, %arg10: memref<64x64xi32, #tpu.memory_space<vmem>>, %arg11: memref<64x128xf32, #tpu.memory_space<vmem>>, %arg12: memref<64x128xf32, #tpu.memory_space<vmem>>, %arg13: memref<!tpu.dma_semaphore, #tpu.memory_space<semaphore_mem>>, %arg14: memref<!tpu.dma_semaphore, #tpu.memory_space<semaphore_mem>>, %arg15: memref<!tpu.dma_semaphore, #tpu.memory_space<semaphore_mem>>, %arg16: memref<!tpu.dma_semaphore, #tpu.memory_space<semaphore_mem>>) attributes {dimension_semantics = [#tpu.dimension_semantics<core_parallel>, #tpu.dimension_semantics<subcore_parallel>], iteration_bounds = array<i64: 2, 16>, scalar_prefetch = 0 : i64, scratch_operands = 11 : i64, tpu.core_type = #tpu.core_type<sc_vector_subcore>, window_params = [{transform_indices = #map}, {transform_indices = #map1}, {transform_indices = #map1}, {transform_indices = #map1}]} {
    %mul3A = arith.constant 640 : i32
    %mul3A_0 = arith.muli %arg1, %mul3A : i32
    %scan3A = arith.constant 0 : i32
    %scan3A_1 = arith.constant 0 : i32
    %scan3A_2 = arith.constant 64 : i32
    %scan3A_3 = arith.addi %scan3A_1, %scan3A_2 : i32
    %scan3A_4 = arith.constant 1 : i32
    scf.for %scan3A_21 = %scan3A_1 to %scan3A_3 step %scan3A_4  : i32 {
      %scan3A_22 = arith.constant 0 : i32
      %scan3A_23 = arith.constant 8 : i32
      %scan3A_24 = arith.addi %scan3A_22, %scan3A_23 : i32
      %scan3A_25 = arith.constant 1 : i32
      scf.for %scan3A_27 = %scan3A_22 to %scan3A_24 step %scan3A_25  : i32 {
        %broadcast_in_dim3A = arith.constant 0.000000e+00 : f32
        %broadcast_in_dim3A_28 = vector.broadcast %broadcast_in_dim3A : f32 to vector<16xf32>
        %mul3A_29 = arith.constant 16 : i32
        %mul3A_30 = arith.muli %scan3A_27, %mul3A_29 : i32
        %swap3A = arith.index_cast %scan3A_21 : i32 to index
        %swap3A_31 = arith.index_cast %mul3A_30 : i32 to index
        %swap3A_32 = tpu.vector_load %arg11[%swap3A, %swap3A_31] {strides = array<i32>} : memref<64x128xf32, #tpu.memory_space<vmem>>, vector<16xf32>,
        tpu.vector_store %arg11[%swap3A, %swap3A_31], %broadcast_in_dim3A_28 {strides = array<i32>} : memref<64x128xf32, #tpu.memory_space<vmem>>, vector<16xf32>,
      }
      %scan3A_26 = arith.constant 8 : i32
    }
    %scan3A_5 = arith.constant 64 : i32
    %scan3A_6 = arith.constant 0 : i32
    %scan3A_7 = arith.constant 0 : i32
    %scan3A_8 = arith.constant 10 : i32
    %scan3A_9 = arith.addi %scan3A_7, %scan3A_8 : i32
    %scan3A_10 = arith.constant 1 : i32
    scf.for %scan3A_21 = %scan3A_7 to %scan3A_9 step %scan3A_10  : i32 {
      %mul3A_22 = arith.constant 64 : i32
      %mul3A_23 = arith.muli %scan3A_21, %mul3A_22 : i32
      %add3A_24 = arith.addi %mul3A_0, %mul3A_23 : i32
      "tpu.region"() ({
        %run_scoped3A = tpu.sem_alloc : memref<!tpu.dma_semaphore, #tpu.memory_space<semaphore_mem>>
        %dma_start3A = arith.constant 0 : i32
        %dma_start3A_25 = tpu.memref_slice %arg6[%add3A_24, %dma_start3A] : memref<10240x128xf32, #tpu.memory_space<vmem_shared>> -> memref<64x128xf32, #tpu.memory_space<vmem_shared>>
        %dma_start3A_26 = arith.constant 0 : i32
        %dma_start3A_27 = tpu.memref_slice %arg6[%add3A_24, %dma_start3A_26] : memref<10240x128xf32, #tpu.memory_space<vmem_shared>> -> memref<64x128xf32, #tpu.memory_space<vmem_shared>>
        tpu.enqueue_dma source(%arg11 : memref<64x128xf32, #tpu.memory_space<vmem>>) target(%dma_start3A_27 : memref<64x128xf32, #tpu.memory_space<vmem_shared>>) target_semaphore(%run_scoped3A : memref<!tpu.dma_semaphore, #tpu.memory_space<semaphore_mem>>)
        %dma_wait3A = arith.constant 0 : i32
        %dma_wait3A_28 = tpu.memref_slice %arg6[%add3A_24, %dma_wait3A] : memref<10240x128xf32, #tpu.memory_space<vmem_shared>> -> memref<64x128xf32, #tpu.memory_space<vmem_shared>>
        %dma_wait3A_29 = arith.constant 0 : i32
        %dma_wait3A_30 = tpu.memref_slice %arg6[%add3A_24, %dma_wait3A_29] : memref<10240x128xf32, #tpu.memory_space<vmem_shared>> -> memref<64x128xf32, #tpu.memory_space<vmem_shared>>
        tpu.wait_dma2 semaphore(%run_scoped3A : memref<!tpu.dma_semaphore, #tpu.memory_space<semaphore_mem>>) src(%arg11 : memref<64x128xf32, #tpu.memory_space<vmem>>) dst(%dma_wait3A_30 : memref<64x128xf32, #tpu.memory_space<vmem_shared>>)
        tpu.yield
      }) : () -> ()
    }
    %scan3A_11 = arith.constant 10 : i32
    %barrier3A = arith.constant 0 : index
    tpu.barrier barrier_id(%barrier3A)
    %mul3A_12 = arith.constant 16 : i32
    %mul3A_13 = arith.muli %arg0, %mul3A_12 : i32
    %add3A = arith.addi %mul3A_13, %arg1 : i32
    %scan3A_14 = arith.constant 0 : i32
    %scan3A_15 = arith.constant 0 : i32
    %scan3A_16 = arith.constant 10 : i32
    %scan3A_17 = arith.addi %scan3A_15, %scan3A_16 : i32
    %scan3A_18 = arith.constant 1 : i32
    scf.for %scan3A_21 = %scan3A_15 to %scan3A_17 step %scan3A_18  : i32 {
      %mul3A_22 = arith.constant 10 : i32
      %mul3A_23 = arith.muli %add3A, %mul3A_22 : i32
      %add3A_24 = arith.addi %mul3A_23, %scan3A_21 : i32
      "tpu.region"() ({
        %run_scoped3A = tpu.sem_alloc : memref<!tpu.dma_semaphore, #tpu.memory_space<semaphore_mem>>
        %dma_start3A_50 = arith.constant 0 : i32
        %dma_start3A_51 = arith.constant 0 : i32
        %dma_start3A_52 = tpu.memref_slice %arg3[%add3A_24, %dma_start3A_50, %dma_start3A_51] : memref<320x16x64xi32, #tpu.memory_space<hbm>> -> memref<1x16x64xi32, #tpu.memory_space<hbm>>
        %dma_start3A_53 = tpu.memref_squeeze %dma_start3A_52 : memref<1x16x64xi32, #tpu.memory_space<hbm>> -> memref<16x64xi32, #tpu.memory_space<hbm>>
        %dma_start3A_54 = arith.constant 0 : i32
        %dma_start3A_55 = arith.constant 0 : i32
        %dma_start3A_56 = tpu.memref_slice %arg3[%add3A_24, %dma_start3A_54, %dma_start3A_55] : memref<320x16x64xi32, #tpu.memory_space<hbm>> -> memref<1x16x64xi32, #tpu.memory_space<hbm>>
        %dma_start3A_57 = tpu.memref_squeeze %dma_start3A_56 : memref<1x16x64xi32, #tpu.memory_space<hbm>> -> memref<16x64xi32, #tpu.memory_space<hbm>>
        tpu.enqueue_dma source(%dma_start3A_57 : memref<16x64xi32, #tpu.memory_space<hbm>>) target(%arg7 : memref<16x64xi32, #tpu.memory_space<vmem>>) target_semaphore(%run_scoped3A : memref<!tpu.dma_semaphore, #tpu.memory_space<semaphore_mem>>)
        %dma_wait3A_58 = arith.constant 0 : i32
        %dma_wait3A_59 = arith.constant 0 : i32
        %dma_wait3A_60 = tpu.memref_slice %arg3[%add3A_24, %dma_wait3A_58, %dma_wait3A_59] : memref<320x16x64xi32, #tpu.memory_space<hbm>> -> memref<1x16x64xi32, #tpu.memory_space<hbm>>
        %dma_wait3A_61 = tpu.memref_squeeze %dma_wait3A_60 : memref<1x16x64xi32, #tpu.memory_space<hbm>> -> memref<16x64xi32, #tpu.memory_space<hbm>>
        %dma_wait3A_62 = arith.constant 0 : i32
        %dma_wait3A_63 = arith.constant 0 : i32
        %dma_wait3A_64 = tpu.memref_slice %arg3[%add3A_24, %dma_wait3A_62, %dma_wait3A_63] : memref<320x16x64xi32, #tpu.memory_space<hbm>> -> memref<1x16x64xi32, #tpu.memory_space<hbm>>
        %dma_wait3A_65 = tpu.memref_squeeze %dma_wait3A_64 : memref<1x16x64xi32, #tpu.memory_space<hbm>> -> memref<16x64xi32, #tpu.memory_space<hbm>>
        tpu.wait_dma2 semaphore(%run_scoped3A : memref<!tpu.dma_semaphore, #tpu.memory_space<semaphore_mem>>) src(%dma_wait3A_65 : memref<16x64xi32, #tpu.memory_space<hbm>>) dst(%arg7 : memref<16x64xi32, #tpu.memory_space<vmem>>)
        tpu.yield
      }) : () -> ()
      "tpu.region"() ({
        %run_scoped3A = tpu.sem_alloc : memref<!tpu.dma_semaphore, #tpu.memory_space<semaphore_mem>>
        %dma_start3A_50 = arith.constant 0 : i32
        %dma_start3A_51 = arith.constant 0 : i32
        %dma_start3A_52 = tpu.memref_slice %arg4[%add3A_24, %dma_start3A_50, %dma_start3A_51] : memref<320x16x64xi32, #tpu.memory_space<hbm>> -> memref<1x16x64xi32, #tpu.memory_space<hbm>>
        %dma_start3A_53 = tpu.memref_squeeze %dma_start3A_52 : memref<1x16x64xi32, #tpu.memory_space<hbm>> -> memref<16x64xi32, #tpu.memory_space<hbm>>
        %dma_start3A_54 = arith.constant 0 : i32
        %dma_start3A_55 = arith.constant 0 : i32
        %dma_start3A_56 = tpu.memref_slice %arg4[%add3A_24, %dma_start3A_54, %dma_start3A_55] : memref<320x16x64xi32, #tpu.memory_space<hbm>> -> memref<1x16x64xi32, #tpu.memory_space<hbm>>
        %dma_start3A_57 = tpu.memref_squeeze %dma_start3A_56 : memref<1x16x64xi32, #tpu.memory_space<hbm>> -> memref<16x64xi32, #tpu.memory_space<hbm>>
        tpu.enqueue_dma source(%dma_start3A_57 : memref<16x64xi32, #tpu.memory_space<hbm>>) target(%arg8 : memref<16x64xi32, #tpu.memory_space<vmem>>) target_semaphore(%run_scoped3A : memref<!tpu.dma_semaphore, #tpu.memory_space<semaphore_mem>>)
        %dma_wait3A_58 = arith.constant 0 : i32
        %dma_wait3A_59 = arith.constant 0 : i32
        %dma_wait3A_60 = tpu.memref_slice %arg4[%add3A_24, %dma_wait3A_58, %dma_wait3A_59] : memref<320x16x64xi32, #tpu.memory_space<hbm>> -> memref<1x16x64xi32, #tpu.memory_space<hbm>>
        %dma_wait3A_61 = tpu.memref_squeeze %dma_wait3A_60 : memref<1x16x64xi32, #tpu.memory_space<hbm>> -> memref<16x64xi32, #tpu.memory_space<hbm>>
        %dma_wait3A_62 = arith.constant 0 : i32
        %dma_wait3A_63 = arith.constant 0 : i32
        %dma_wait3A_64 = tpu.memref_slice %arg4[%add3A_24, %dma_wait3A_62, %dma_wait3A_63] : memref<320x16x64xi32, #tpu.memory_space<hbm>> -> memref<1x16x64xi32, #tpu.memory_space<hbm>>
        %dma_wait3A_65 = tpu.memref_squeeze %dma_wait3A_64 : memref<1x16x64xi32, #tpu.memory_space<hbm>> -> memref<16x64xi32, #tpu.memory_space<hbm>>
        tpu.wait_dma2 semaphore(%run_scoped3A : memref<!tpu.dma_semaphore, #tpu.memory_space<semaphore_mem>>) src(%dma_wait3A_65 : memref<16x64xi32, #tpu.memory_space<hbm>>) dst(%arg8 : memref<16x64xi32, #tpu.memory_space<vmem>>)
        tpu.yield
      }) : () -> ()
      %dma_start3A = arith.constant 0 : i32
      %dma_start3A_25 = arith.constant 0 : i32
      %dma_start3A_26 = tpu.memref_slice %arg7[%dma_start3A, %dma_start3A_25] : memref<16x64xi32, #tpu.memory_space<vmem>> -> memref<1x64xi32, #tpu.memory_space<vmem>>
      %dma_start3A_27 = tpu.memref_squeeze %dma_start3A_26 : memref<1x64xi32, #tpu.memory_space<vmem>> -> memref<64xi32, #tpu.memory_space<vmem>>
      %dma_start3A_28 = arith.constant 0 : i32
      %dma_start3A_29 = arith.constant 0 : i32
      %dma_start3A_30 = tpu.memref_slice %arg2[%dma_start3A_28, %dma_start3A_29] : memref<10240x64xi32, #tpu.memory_space<hbm>> -> memref<10240x64xi32, #tpu.memory_space<hbm>>
      tpu.enqueue_indirect_dma source(%dma_start3A_30 : memref<10240x64xi32, #tpu.memory_space<hbm>>) target(%arg9 : memref<64x64xi32, #tpu.memory_space<vmem>>) offsets(%dma_start3A_27 : memref<64xi32, #tpu.memory_space<vmem>>) semaphore(%arg13 : memref<!tpu.dma_semaphore, #tpu.memory_space<semaphore_mem>>)
      %scan3A_31 = arith.constant 0 : i32
      %scan3A_32 = arith.constant 0 : i32
      %scan3A_33 = arith.constant 8 : i32
      %scan3A_34 = arith.addi %scan3A_32, %scan3A_33 : i32
      %scan3A_35 = arith.constant 1 : i32
      scf.for %scan3A_50 = %scan3A_32 to %scan3A_34 step %scan3A_35  : i32 {
        %mul3A_51 = arith.constant 2 : i32
        %mul3A_52 = arith.muli %mul3A_51, %scan3A_50 : i32
        %add3A_53 = arith.constant 1 : i32
        %add3A_54 = arith.addi %mul3A_52, %add3A_53 : i32
        %dma_start3A_55 = arith.constant 0 : i32
        %dma_start3A_56 = tpu.memref_slice %arg7[%add3A_54, %dma_start3A_55] : memref<16x64xi32, #tpu.memory_space<vmem>> -> memref<1x64xi32, #tpu.memory_space<vmem>>
        %dma_start3A_57 = tpu.memref_squeeze %dma_start3A_56 : memref<1x64xi32, #tpu.memory_space<vmem>> -> memref<64xi32, #tpu.memory_space<vmem>>
        %dma_start3A_58 = arith.constant 0 : i32
        %dma_start3A_59 = arith.constant 0 : i32
        %dma_start3A_60 = tpu.memref_slice %arg2[%dma_start3A_58, %dma_start3A_59] : memref<10240x64xi32, #tpu.memory_space<hbm>> -> memref<10240x64xi32, #tpu.memory_space<hbm>>
        tpu.enqueue_indirect_dma source(%dma_start3A_60 : memref<10240x64xi32, #tpu.memory_space<hbm>>) target(%arg10 : memref<64x64xi32, #tpu.memory_space<vmem>>) offsets(%dma_start3A_57 : memref<64xi32, #tpu.memory_space<vmem>>) semaphore(%arg14 : memref<!tpu.dma_semaphore, #tpu.memory_space<semaphore_mem>>)
        %dma_wait3A_61 = arith.constant 0 : i32
        %dma_wait3A_62 = tpu.memref_slice %arg7[%mul3A_52, %dma_wait3A_61] : memref<16x64xi32, #tpu.memory_space<vmem>> -> memref<1x64xi32, #tpu.memory_space<vmem>>
        %dma_wait3A_63 = tpu.memref_squeeze %dma_wait3A_62 : memref<1x64xi32, #tpu.memory_space<vmem>> -> memref<64xi32, #tpu.memory_space<vmem>>
        %dma_wait3A_64 = arith.constant 0 : i32
        %dma_wait3A_65 = arith.constant 0 : i32
        %dma_wait3A_66 = tpu.memref_slice %arg2[%dma_wait3A_64, %dma_wait3A_65] : memref<10240x64xi32, #tpu.memory_space<hbm>> -> memref<10240x64xi32, #tpu.memory_space<hbm>>
        tpu.wait_indirect_dma semaphore(%arg13 : memref<!tpu.dma_semaphore, #tpu.memory_space<semaphore_mem>>) src(%dma_wait3A_66 : memref<10240x64xi32, #tpu.memory_space<hbm>>) dst(%arg9 : memref<64x64xi32, #tpu.memory_space<vmem>>)
        %gt3A = arith.constant 0 : i32
        %gt3A_67 = arith.cmpi sgt, %scan3A_50, %gt3A : i32
        %convert_element_type3A = arith.extui %gt3A_67 : i1 to i32
        %cond3A = arith.constant 0 : i32
        %cond3A_68 = arith.cmpi ne, %convert_element_type3A, %cond3A : i32
        scf.if %cond3A_68 {
          %dma_wait3A_112 = arith.constant 0 : i32
          %dma_wait3A_113 = tpu.memref_slice %arg8[%mul3A_52, %dma_wait3A_112] : memref<16x64xi32, #tpu.memory_space<vmem>> -> memref<1x64xi32, #tpu.memory_space<vmem>>
          %dma_wait3A_114 = tpu.memref_squeeze %dma_wait3A_113 : memref<1x64xi32, #tpu.memory_space<vmem>> -> memref<64xi32, #tpu.memory_space<vmem>>
          %dma_wait3A_115 = arith.constant 0 : i32
          %dma_wait3A_116 = arith.constant 0 : i32
          %dma_wait3A_117 = tpu.memref_slice %arg6[%dma_wait3A_115, %dma_wait3A_116] : memref<10240x128xf32, #tpu.memory_space<vmem_shared>> -> memref<10240x128xf32, #tpu.memory_space<vmem_shared>>
          tpu.wait_indirect_dma semaphore(%arg15 : memref<!tpu.dma_semaphore, #tpu.memory_space<semaphore_mem>>) src(%arg11 : memref<64x128xf32, #tpu.memory_space<vmem>>) dst(%dma_wait3A_117 : memref<10240x128xf32, #tpu.memory_space<vmem_shared>>)
        } else {
        }
        %scan3A_69 = arith.constant 0 : i32
        %scan3A_70 = arith.constant 0 : i32
        %scan3A_71 = arith.constant 64 : i32
        %scan3A_72 = arith.addi %scan3A_70, %scan3A_71 : i32
        %scan3A_73 = arith.constant 1 : i32
        scf.for %scan3A_112 = %scan3A_70 to %scan3A_72 step %scan3A_73  : i32 {
          %get3A = arith.index_cast %scan3A_112 : i32 to index
          %get3A_113 = arith.constant 0 : index
          %get3A_114 = tpu.vector_load %arg9[%get3A, %get3A_113] {strides = array<i32>} : memref<64x64xi32, #tpu.memory_space<vmem>>, vector<16xi32>,
          %shift_left3A = arith.constant 16 : i32
          %shift_left3A_115 = vector.broadcast %shift_left3A : i32 to vector<16xi32>
          %shift_left3A_116 = arith.shli %get3A_114, %shift_left3A_115 : vector<16xi32>
          %bitcast3A = vector.bitcast %shift_left3A_116 : vector<16xi32> to vector<16xf32>
          %and3A = arith.constant -65536 : i32
          %and3A_117 = vector.broadcast %and3A : i32 to vector<16xi32>
          %and3A_118 = arith.andi %get3A_114, %and3A_117 : vector<16xi32>
          %bitcast3A_119 = vector.bitcast %and3A_118 : vector<16xi32> to vector<16xf32>
          %swap3A = arith.index_cast %scan3A_112 : i32 to index
          %swap3A_120 = arith.constant 0 : index
          %swap3A_121 = tpu.vector_load %arg11[%swap3A, %swap3A_120] {strides = array<i32>} : memref<64x128xf32, #tpu.memory_space<vmem>>, vector<16xf32>,
          tpu.vector_store %arg11[%swap3A, %swap3A_120], %bitcast3A {strides = array<i32>} : memref<64x128xf32, #tpu.memory_space<vmem>>, vector<16xf32>,
          %swap3A_122 = arith.index_cast %scan3A_112 : i32 to index
          %swap3A_123 = arith.constant 16 : index
          %swap3A_124 = tpu.vector_load %arg11[%swap3A_122, %swap3A_123] {strides = array<i32>} : memref<64x128xf32, #tpu.memory_space<vmem>>, vector<16xf32>,
          tpu.vector_store %arg11[%swap3A_122, %swap3A_123], %bitcast3A_119 {strides = array<i32>} : memref<64x128xf32, #tpu.memory_space<vmem>>, vector<16xf32>,
          %get3A_125 = arith.index_cast %scan3A_112 : i32 to index
          %get3A_126 = arith.constant 16 : index
          %get3A_127 = tpu.vector_load %arg9[%get3A_125, %get3A_126] {strides = array<i32>} : memref<64x64xi32, #tpu.memory_space<vmem>>, vector<16xi32>,
          %shift_left3A_128 = arith.constant 16 : i32
          %shift_left3A_129 = vector.broadcast %shift_left3A_128 : i32 to vector<16xi32>
          %shift_left3A_130 = arith.shli %get3A_127, %shift_left3A_129 : vector<16xi32>
          %bitcast3A_131 = vector.bitcast %shift_left3A_130 : vector<16xi32> to vector<16xf32>
          %and3A_132 = arith.constant -65536 : i32
          %and3A_133 = vector.broadcast %and3A_132 : i32 to vector<16xi32>
          %and3A_134 = arith.andi %get3A_127, %and3A_133 : vector<16xi32>
          %bitcast3A_135 = vector.bitcast %and3A_134 : vector<16xi32> to vector<16xf32>
          %swap3A_136 = arith.index_cast %scan3A_112 : i32 to index
          %swap3A_137 = arith.constant 32 : index
          %swap3A_138 = tpu.vector_load %arg11[%swap3A_136, %swap3A_137] {strides = array<i32>} : memref<64x128xf32, #tpu.memory_space<vmem>>, vector<16xf32>,
          tpu.vector_store %arg11[%swap3A_136, %swap3A_137], %bitcast3A_131 {strides = array<i32>} : memref<64x128xf32, #tpu.memory_space<vmem>>, vector<16xf32>,
          %swap3A_139 = arith.index_cast %scan3A_112 : i32 to index
          %swap3A_140 = arith.constant 48 : index
          %swap3A_141 = tpu.vector_load %arg11[%swap3A_139, %swap3A_140] {strides = array<i32>} : memref<64x128xf32, #tpu.memory_space<vmem>>, vector<16xf32>,
          tpu.vector_store %arg11[%swap3A_139, %swap3A_140], %bitcast3A_135 {strides = array<i32>} : memref<64x128xf32, #tpu.memory_space<vmem>>, vector<16xf32>,
          %get3A_142 = arith.index_cast %scan3A_112 : i32 to index
          %get3A_143 = arith.constant 32 : index
          %get3A_144 = tpu.vector_load %arg9[%get3A_142, %get3A_143] {strides = array<i32>} : memref<64x64xi32, #tpu.memory_space<vmem>>, vector<16xi32>,
          %shift_left3A_145 = arith.constant 16 : i32
          %shift_left3A_146 = vector.broadcast %shift_left3A_145 : i32 to vector<16xi32>
          %shift_left3A_147 = arith.shli %get3A_144, %shift_left3A_146 : vector<16xi32>
          %bitcast3A_148 = vector.bitcast %shift_left3A_147 : vector<16xi32> to vector<16xf32>
          %and3A_149 = arith.constant -65536 : i32
          %and3A_150 = vector.broadcast %and3A_149 : i32 to vector<16xi32>
          %and3A_151 = arith.andi %get3A_144, %and3A_150 : vector<16xi32>
          %bitcast3A_152 = vector.bitcast %and3A_151 : vector<16xi32> to vector<16xf32>
          %swap3A_153 = arith.index_cast %scan3A_112 : i32 to index
          %swap3A_154 = arith.constant 64 : index
          %swap3A_155 = tpu.vector_load %arg11[%swap3A_153, %swap3A_154] {strides = array<i32>} : memref<64x128xf32, #tpu.memory_space<vmem>>, vector<16xf32>,
          tpu.vector_store %arg11[%swap3A_153, %swap3A_154], %bitcast3A_148 {strides = array<i32>} : memref<64x128xf32, #tpu.memory_space<vmem>>, vector<16xf32>,
          %swap3A_156 = arith.index_cast %scan3A_112 : i32 to index
          %swap3A_157 = arith.constant 80 : index
          %swap3A_158 = tpu.vector_load %arg11[%swap3A_156, %swap3A_157] {strides = array<i32>} : memref<64x128xf32, #tpu.memory_space<vmem>>, vector<16xf32>,
          tpu.vector_store %arg11[%swap3A_156, %swap3A_157], %bitcast3A_152 {strides = array<i32>} : memref<64x128xf32, #tpu.memory_space<vmem>>, vector<16xf32>,
          %get3A_159 = arith.index_cast %scan3A_112 : i32 to index
          %get3A_160 = arith.constant 48 : index
          %get3A_161 = tpu.vector_load %arg9[%get3A_159, %get3A_160] {strides = array<i32>} : memref<64x64xi32, #tpu.memory_space<vmem>>, vector<16xi32>,
          %shift_left3A_162 = arith.constant 16 : i32
          %shift_left3A_163 = vector.broadcast %shift_left3A_162 : i32 to vector<16xi32>
          %shift_left3A_164 = arith.shli %get3A_161, %shift_left3A_163 : vector<16xi32>
          %bitcast3A_165 = vector.bitcast %shift_left3A_164 : vector<16xi32> to vector<16xf32>
          %and3A_166 = arith.constant -65536 : i32
          %and3A_167 = vector.broadcast %and3A_166 : i32 to vector<16xi32>
          %and3A_168 = arith.andi %get3A_161, %and3A_167 : vector<16xi32>
          %bitcast3A_169 = vector.bitcast %and3A_168 : vector<16xi32> to vector<16xf32>
          %swap3A_170 = arith.index_cast %scan3A_112 : i32 to index
          %swap3A_171 = arith.constant 96 : index
          %swap3A_172 = tpu.vector_load %arg11[%swap3A_170, %swap3A_171] {strides = array<i32>} : memref<64x128xf32, #tpu.memory_space<vmem>>, vector<16xf32>,
          tpu.vector_store %arg11[%swap3A_170, %swap3A_171], %bitcast3A_165 {strides = array<i32>} : memref<64x128xf32, #tpu.memory_space<vmem>>, vector<16xf32>,
          %swap3A_173 = arith.index_cast %scan3A_112 : i32 to index
          %swap3A_174 = arith.constant 112 : index
          %swap3A_175 = tpu.vector_load %arg11[%swap3A_173, %swap3A_174] {strides = array<i32>} : memref<64x128xf32, #tpu.memory_space<vmem>>, vector<16xf32>,
          tpu.vector_store %arg11[%swap3A_173, %swap3A_174], %bitcast3A_169 {strides = array<i32>} : memref<64x128xf32, #tpu.memory_space<vmem>>, vector<16xf32>,
        }
        %scan3A_74 = arith.constant 64 : i32
        %dma_start3A_75 = arith.constant 0 : i32
        %dma_start3A_76 = tpu.memref_slice %arg8[%mul3A_52, %dma_start3A_75] : memref<16x64xi32, #tpu.memory_space<vmem>> -> memref<1x64xi32, #tpu.memory_space<vmem>>
        %dma_start3A_77 = tpu.memref_squeeze %dma_start3A_76 : memref<1x64xi32, #tpu.memory_space<vmem>> -> memref<64xi32, #tpu.memory_space<vmem>>
        %dma_start3A_78 = arith.constant 0 : i32
        %dma_start3A_79 = arith.constant 0 : i32
        %dma_start3A_80 = tpu.memref_slice %arg6[%dma_start3A_78, %dma_start3A_79] : memref<10240x128xf32, #tpu.memory_space<vmem_shared>> -> memref<10240x128xf32, #tpu.memory_space<vmem_shared>>
        tpu.enqueue_indirect_dma source(%arg11 : memref<64x128xf32, #tpu.memory_space<vmem>>) target(%dma_start3A_80 : memref<10240x128xf32, #tpu.memory_space<vmem_shared>>) offsets(%dma_start3A_77 : memref<64xi32, #tpu.memory_space<vmem>>) semaphore(%arg15 : memref<!tpu.dma_semaphore, #tpu.memory_space<semaphore_mem>>) {add = true}
        %lt3A = arith.constant 7 : i32
        %lt3A_81 = arith.cmpi slt, %scan3A_50, %lt3A : i32
        %convert_element_type3A_82 = arith.extui %lt3A_81 : i1 to i32
        %cond3A_83 = arith.constant 0 : i32
        %cond3A_84 = arith.cmpi ne, %convert_element_type3A_82, %cond3A_83 : i32
        scf.if %cond3A_84 {
          %add3A_112 = arith.constant 2 : i32
          %add3A_113 = arith.addi %mul3A_52, %add3A_112 : i32
          %dma_start3A_114 = arith.constant 0 : i32
          %dma_start3A_115 = tpu.memref_slice %arg7[%add3A_113, %dma_start3A_114] : memref<16x64xi32, #tpu.memory_space<vmem>> -> memref<1x64xi32, #tpu.memory_space<vmem>>
          %dma_start3A_116 = tpu.memref_squeeze %dma_start3A_115 : memref<1x64xi32, #tpu.memory_space<vmem>> -> memref<64xi32, #tpu.memory_space<vmem>>
          %dma_start3A_117 = arith.constant 0 : i32
          %dma_start3A_118 = arith.constant 0 : i32
          %dma_start3A_119 = tpu.memref_slice %arg2[%dma_start3A_117, %dma_start3A_118] : memref<10240x64xi32, #tpu.memory_space<hbm>> -> memref<10240x64xi32, #tpu.memory_space<hbm>>
          tpu.enqueue_indirect_dma source(%dma_start3A_119 : memref<10240x64xi32, #tpu.memory_space<hbm>>) target(%arg9 : memref<64x64xi32, #tpu.memory_space<vmem>>) offsets(%dma_start3A_116 : memref<64xi32, #tpu.memory_space<vmem>>) semaphore(%arg13 : memref<!tpu.dma_semaphore, #tpu.memory_space<semaphore_mem>>)
        } else {
        }
        %add3A_85 = arith.constant 1 : i32
        %add3A_86 = arith.addi %mul3A_52, %add3A_85 : i32
        %dma_wait3A_87 = arith.constant 0 : i32
        %dma_wait3A_88 = tpu.memref_slice %arg7[%add3A_86, %dma_wait3A_87] : memref<16x64xi32, #tpu.memory_space<vmem>> -> memref<1x64xi32, #tpu.memory_space<vmem>>
        %dma_wait3A_89 = tpu.memref_squeeze %dma_wait3A_88 : memref<1x64xi32, #tpu.memory_space<vmem>> -> memref<64xi32, #tpu.memory_space<vmem>>
        %dma_wait3A_90 = arith.constant 0 : i32
        %dma_wait3A_91 = arith.constant 0 : i32
        %dma_wait3A_92 = tpu.memref_slice %arg2[%dma_wait3A_90, %dma_wait3A_91] : memref<10240x64xi32, #tpu.memory_space<hbm>> -> memref<10240x64xi32, #tpu.memory_space<hbm>>
        tpu.wait_indirect_dma semaphore(%arg14 : memref<!tpu.dma_semaphore, #tpu.memory_space<semaphore_mem>>) src(%dma_wait3A_92 : memref<10240x64xi32, #tpu.memory_space<hbm>>) dst(%arg10 : memref<64x64xi32, #tpu.memory_space<vmem>>)
        %gt3A_93 = arith.constant 0 : i32
        %gt3A_94 = arith.cmpi sgt, %scan3A_50, %gt3A_93 : i32
        %convert_element_type3A_95 = arith.extui %gt3A_94 : i1 to i32
        %cond3A_96 = arith.constant 0 : i32
        %cond3A_97 = arith.cmpi ne, %convert_element_type3A_95, %cond3A_96 : i32
        scf.if %cond3A_97 {
          %dma_wait3A_112 = arith.constant 0 : i32
          %dma_wait3A_113 = tpu.memref_slice %arg8[%mul3A_52, %dma_wait3A_112] : memref<16x64xi32, #tpu.memory_space<vmem>> -> memref<1x64xi32, #tpu.memory_space<vmem>>
          %dma_wait3A_114 = tpu.memref_squeeze %dma_wait3A_113 : memref<1x64xi32, #tpu.memory_space<vmem>> -> memref<64xi32, #tpu.memory_space<vmem>>
          %dma_wait3A_115 = arith.constant 0 : i32
          %dma_wait3A_116 = arith.constant 0 : i32
          %dma_wait3A_117 = tpu.memref_slice %arg6[%dma_wait3A_115, %dma_wait3A_116] : memref<10240x128xf32, #tpu.memory_space<vmem_shared>> -> memref<10240x128xf32, #tpu.memory_space<vmem_shared>>
          tpu.wait_indirect_dma semaphore(%arg16 : memref<!tpu.dma_semaphore, #tpu.memory_space<semaphore_mem>>) src(%arg12 : memref<64x128xf32, #tpu.memory_space<vmem>>) dst(%dma_wait3A_117 : memref<10240x128xf32, #tpu.memory_space<vmem_shared>>)
        } else {
        }
        %scan3A_98 = arith.constant 0 : i32
        %scan3A_99 = arith.constant 0 : i32
        %scan3A_100 = arith.constant 64 : i32
        %scan3A_101 = arith.addi %scan3A_99, %scan3A_100 : i32
        %scan3A_102 = arith.constant 1 : i32
        scf.for %scan3A_112 = %scan3A_99 to %scan3A_101 step %scan3A_102  : i32 {
          %get3A = arith.index_cast %scan3A_112 : i32 to index
          %get3A_113 = arith.constant 0 : index
          %get3A_114 = tpu.vector_load %arg10[%get3A, %get3A_113] {strides = array<i32>} : memref<64x64xi32, #tpu.memory_space<vmem>>, vector<16xi32>,
          %shift_left3A = arith.constant 16 : i32
          %shift_left3A_115 = vector.broadcast %shift_left3A : i32 to vector<16xi32>
          %shift_left3A_116 = arith.shli %get3A_114, %shift_left3A_115 : vector<16xi32>
          %bitcast3A = vector.bitcast %shift_left3A_116 : vector<16xi32> to vector<16xf32>
          %and3A = arith.constant -65536 : i32
          %and3A_117 = vector.broadcast %and3A : i32 to vector<16xi32>
          %and3A_118 = arith.andi %get3A_114, %and3A_117 : vector<16xi32>
          %bitcast3A_119 = vector.bitcast %and3A_118 : vector<16xi32> to vector<16xf32>
          %swap3A = arith.index_cast %scan3A_112 : i32 to index
          %swap3A_120 = arith.constant 0 : index
          %swap3A_121 = tpu.vector_load %arg12[%swap3A, %swap3A_120] {strides = array<i32>} : memref<64x128xf32, #tpu.memory_space<vmem>>, vector<16xf32>,
          tpu.vector_store %arg12[%swap3A, %swap3A_120], %bitcast3A {strides = array<i32>} : memref<64x128xf32, #tpu.memory_space<vmem>>, vector<16xf32>,
          %swap3A_122 = arith.index_cast %scan3A_112 : i32 to index
          %swap3A_123 = arith.constant 16 : index
          %swap3A_124 = tpu.vector_load %arg12[%swap3A_122, %swap3A_123] {strides = array<i32>} : memref<64x128xf32, #tpu.memory_space<vmem>>, vector<16xf32>,
          tpu.vector_store %arg12[%swap3A_122, %swap3A_123], %bitcast3A_119 {strides = array<i32>} : memref<64x128xf32, #tpu.memory_space<vmem>>, vector<16xf32>,
          %get3A_125 = arith.index_cast %scan3A_112 : i32 to index
          %get3A_126 = arith.constant 16 : index
          %get3A_127 = tpu.vector_load %arg10[%get3A_125, %get3A_126] {strides = array<i32>} : memref<64x64xi32, #tpu.memory_space<vmem>>, vector<16xi32>,
          %shift_left3A_128 = arith.constant 16 : i32
          %shift_left3A_129 = vector.broadcast %shift_left3A_128 : i32 to vector<16xi32>
          %shift_left3A_130 = arith.shli %get3A_127, %shift_left3A_129 : vector<16xi32>
          %bitcast3A_131 = vector.bitcast %shift_left3A_130 : vector<16xi32> to vector<16xf32>
          %and3A_132 = arith.constant -65536 : i32
          %and3A_133 = vector.broadcast %and3A_132 : i32 to vector<16xi32>
          %and3A_134 = arith.andi %get3A_127, %and3A_133 : vector<16xi32>
          %bitcast3A_135 = vector.bitcast %and3A_134 : vector<16xi32> to vector<16xf32>
          %swap3A_136 = arith.index_cast %scan3A_112 : i32 to index
          %swap3A_137 = arith.constant 32 : index
          %swap3A_138 = tpu.vector_load %arg12[%swap3A_136, %swap3A_137] {strides = array<i32>} : memref<64x128xf32, #tpu.memory_space<vmem>>, vector<16xf32>,
          tpu.vector_store %arg12[%swap3A_136, %swap3A_137], %bitcast3A_131 {strides = array<i32>} : memref<64x128xf32, #tpu.memory_space<vmem>>, vector<16xf32>,
          %swap3A_139 = arith.index_cast %scan3A_112 : i32 to index
          %swap3A_140 = arith.constant 48 : index
          %swap3A_141 = tpu.vector_load %arg12[%swap3A_139, %swap3A_140] {strides = array<i32>} : memref<64x128xf32, #tpu.memory_space<vmem>>, vector<16xf32>,
          tpu.vector_store %arg12[%swap3A_139, %swap3A_140], %bitcast3A_135 {strides = array<i32>} : memref<64x128xf32, #tpu.memory_space<vmem>>, vector<16xf32>,
          %get3A_142 = arith.index_cast %scan3A_112 : i32 to index
          %get3A_143 = arith.constant 32 : index
          %get3A_144 = tpu.vector_load %arg10[%get3A_142, %get3A_143] {strides = array<i32>} : memref<64x64xi32, #tpu.memory_space<vmem>>, vector<16xi32>,
          %shift_left3A_145 = arith.constant 16 : i32
          %shift_left3A_146 = vector.broadcast %shift_left3A_145 : i32 to vector<16xi32>
          %shift_left3A_147 = arith.shli %get3A_144, %shift_left3A_146 : vector<16xi32>
          %bitcast3A_148 = vector.bitcast %shift_left3A_147 : vector<16xi32> to vector<16xf32>
          %and3A_149 = arith.constant -65536 : i32
          %and3A_150 = vector.broadcast %and3A_149 : i32 to vector<16xi32>
          %and3A_151 = arith.andi %get3A_144, %and3A_150 : vector<16xi32>
          %bitcast3A_152 = vector.bitcast %and3A_151 : vector<16xi32> to vector<16xf32>
          %swap3A_153 = arith.index_cast %scan3A_112 : i32 to index
          %swap3A_154 = arith.constant 64 : index
          %swap3A_155 = tpu.vector_load %arg12[%swap3A_153, %swap3A_154] {strides = array<i32>} : memref<64x128xf32, #tpu.memory_space<vmem>>, vector<16xf32>,
          tpu.vector_store %arg12[%swap3A_153, %swap3A_154], %bitcast3A_148 {strides = array<i32>} : memref<64x128xf32, #tpu.memory_space<vmem>>, vector<16xf32>,
          %swap3A_156 = arith.index_cast %scan3A_112 : i32 to index
          %swap3A_157 = arith.constant 80 : index
          %swap3A_158 = tpu.vector_load %arg12[%swap3A_156, %swap3A_157] {strides = array<i32>} : memref<64x128xf32, #tpu.memory_space<vmem>>, vector<16xf32>,
          tpu.vector_store %arg12[%swap3A_156, %swap3A_157], %bitcast3A_152 {strides = array<i32>} : memref<64x128xf32, #tpu.memory_space<vmem>>, vector<16xf32>,
          %get3A_159 = arith.index_cast %scan3A_112 : i32 to index
          %get3A_160 = arith.constant 48 : index
          %get3A_161 = tpu.vector_load %arg10[%get3A_159, %get3A_160] {strides = array<i32>} : memref<64x64xi32, #tpu.memory_space<vmem>>, vector<16xi32>,
          %shift_left3A_162 = arith.constant 16 : i32
          %shift_left3A_163 = vector.broadcast %shift_left3A_162 : i32 to vector<16xi32>
          %shift_left3A_164 = arith.shli %get3A_161, %shift_left3A_163 : vector<16xi32>
          %bitcast3A_165 = vector.bitcast %shift_left3A_164 : vector<16xi32> to vector<16xf32>
          %and3A_166 = arith.constant -65536 : i32
          %and3A_167 = vector.broadcast %and3A_166 : i32 to vector<16xi32>
          %and3A_168 = arith.andi %get3A_161, %and3A_167 : vector<16xi32>
          %bitcast3A_169 = vector.bitcast %and3A_168 : vector<16xi32> to vector<16xf32>
          %swap3A_170 = arith.index_cast %scan3A_112 : i32 to index
          %swap3A_171 = arith.constant 96 : index
          %swap3A_172 = tpu.vector_load %arg12[%swap3A_170, %swap3A_171] {strides = array<i32>} : memref<64x128xf32, #tpu.memory_space<vmem>>, vector<16xf32>,
          tpu.vector_store %arg12[%swap3A_170, %swap3A_171], %bitcast3A_165 {strides = array<i32>} : memref<64x128xf32, #tpu.memory_space<vmem>>, vector<16xf32>,
          %swap3A_173 = arith.index_cast %scan3A_112 : i32 to index
          %swap3A_174 = arith.constant 112 : index
          %swap3A_175 = tpu.vector_load %arg12[%swap3A_173, %swap3A_174] {strides = array<i32>} : memref<64x128xf32, #tpu.memory_space<vmem>>, vector<16xf32>,
          tpu.vector_store %arg12[%swap3A_173, %swap3A_174], %bitcast3A_169 {strides = array<i32>} : memref<64x128xf32, #tpu.memory_space<vmem>>, vector<16xf32>,
        }
        %scan3A_103 = arith.constant 64 : i32
        %add3A_104 = arith.constant 1 : i32
        %add3A_105 = arith.addi %mul3A_52, %add3A_104 : i32
        %dma_start3A_106 = arith.constant 0 : i32
        %dma_start3A_107 = tpu.memref_slice %arg8[%add3A_105, %dma_start3A_106] : memref<16x64xi32, #tpu.memory_space<vmem>> -> memref<1x64xi32, #tpu.memory_space<vmem>>
        %dma_start3A_108 = tpu.memref_squeeze %dma_start3A_107 : memref<1x64xi32, #tpu.memory_space<vmem>> -> memref<64xi32, #tpu.memory_space<vmem>>
        %dma_start3A_109 = arith.constant 0 : i32
        %dma_start3A_110 = arith.constant 0 : i32
        %dma_start3A_111 = tpu.memref_slice %arg6[%dma_start3A_109, %dma_start3A_110] : memref<10240x128xf32, #tpu.memory_space<vmem_shared>> -> memref<10240x128xf32, #tpu.memory_space<vmem_shared>>
        tpu.enqueue_indirect_dma source(%arg12 : memref<64x128xf32, #tpu.memory_space<vmem>>) target(%dma_start3A_111 : memref<10240x128xf32, #tpu.memory_space<vmem_shared>>) offsets(%dma_start3A_108 : memref<64xi32, #tpu.memory_space<vmem>>) semaphore(%arg16 : memref<!tpu.dma_semaphore, #tpu.memory_space<semaphore_mem>>) {add = true}
      }
      %scan3A_36 = arith.constant 8 : i32
      %dma_wait3A = arith.constant 0 : i32
      %dma_wait3A_37 = arith.constant 0 : i32
      %dma_wait3A_38 = tpu.memref_slice %arg8[%dma_wait3A, %dma_wait3A_37] : memref<16x64xi32, #tpu.memory_space<vmem>> -> memref<1x64xi32, #tpu.memory_space<vmem>>
      %dma_wait3A_39 = tpu.memref_squeeze %dma_wait3A_38 : memref<1x64xi32, #tpu.memory_space<vmem>> -> memref<64xi32, #tpu.memory_space<vmem>>
      %dma_wait3A_40 = arith.constant 0 : i32
      %dma_wait3A_41 = arith.constant 0 : i32
      %dma_wait3A_42 = tpu.memref_slice %arg6[%dma_wait3A_40, %dma_wait3A_41] : memref<10240x128xf32, #tpu.memory_space<vmem_shared>> -> memref<10240x128xf32, #tpu.memory_space<vmem_shared>>
      tpu.wait_indirect_dma semaphore(%arg15 : memref<!tpu.dma_semaphore, #tpu.memory_space<semaphore_mem>>) src(%arg11 : memref<64x128xf32, #tpu.memory_space<vmem>>) dst(%dma_wait3A_42 : memref<10240x128xf32, #tpu.memory_space<vmem_shared>>)
      %dma_wait3A_43 = arith.constant 0 : i32
      %dma_wait3A_44 = arith.constant 0 : i32
      %dma_wait3A_45 = tpu.memref_slice %arg8[%dma_wait3A_43, %dma_wait3A_44] : memref<16x64xi32, #tpu.memory_space<vmem>> -> memref<1x64xi32, #tpu.memory_space<vmem>>
      %dma_wait3A_46 = tpu.memref_squeeze %dma_wait3A_45 : memref<1x64xi32, #tpu.memory_space<vmem>> -> memref<64xi32, #tpu.memory_space<vmem>>
      %dma_wait3A_47 = arith.constant 0 : i32
      %dma_wait3A_48 = arith.constant 0 : i32
      %dma_wait3A_49 = tpu.memref_slice %arg6[%dma_wait3A_47, %dma_wait3A_48] : memref<10240x128xf32, #tpu.memory_space<vmem_shared>> -> memref<10240x128xf32, #tpu.memory_space<vmem_shared>>
      tpu.wait_indirect_dma semaphore(%arg16 : memref<!tpu.dma_semaphore, #tpu.memory_space<semaphore_mem>>) src(%arg12 : memref<64x128xf32, #tpu.memory_space<vmem>>) dst(%dma_wait3A_49 : memref<10240x128xf32, #tpu.memory_space<vmem_shared>>)
    }
    %scan3A_19 = arith.constant 10 : i32
    %barrier3A_20 = arith.constant 0 : index
    tpu.barrier barrier_id(%barrier3A_20)
    "tpu.region"() ({
      %run_scoped3A = tpu.sem_alloc : memref<!tpu.dma_semaphore, #tpu.memory_space<semaphore_mem>>
      %dma_start3A = arith.constant 0 : i32
      %dma_start3A_21 = tpu.memref_slice %arg5[%arg0, %mul3A_0, %dma_start3A] : memref<2x10240x128xf32, #tpu.memory_space<hbm>> -> memref<1x640x128xf32, #tpu.memory_space<hbm>>
      %dma_start3A_22 = tpu.memref_squeeze %dma_start3A_21 : memref<1x640x128xf32, #tpu.memory_space<hbm>> -> memref<640x128xf32, #tpu.memory_space<hbm>>
      %dma_start3A_23 = arith.constant 0 : i32
      %dma_start3A_24 = tpu.memref_slice %arg6[%mul3A_0, %dma_start3A_23] : memref<10240x128xf32, #tpu.memory_space<vmem_shared>> -> memref<640x128xf32, #tpu.memory_space<vmem_shared>>
      tpu.enqueue_dma source(%dma_start3A_24 : memref<640x128xf32, #tpu.memory_space<vmem_shared>>) target(%dma_start3A_22 : memref<640x128xf32, #tpu.memory_space<hbm>>) target_semaphore(%run_scoped3A : memref<!tpu.dma_semaphore, #tpu.memory_space<semaphore_mem>>)
      %dma_wait3A = arith.constant 0 : i32
      %dma_wait3A_25 = tpu.memref_slice %arg5[%arg0, %mul3A_0, %dma_wait3A] : memref<2x10240x128xf32, #tpu.memory_space<hbm>> -> memref<1x640x128xf32, #tpu.memory_space<hbm>>
      %dma_wait3A_26 = tpu.memref_squeeze %dma_wait3A_25 : memref<1x640x128xf32, #tpu.memory_space<hbm>> -> memref<640x128xf32, #tpu.memory_space<hbm>>
      %dma_wait3A_27 = arith.constant 0 : i32
      %dma_wait3A_28 = tpu.memref_slice %arg6[%mul3A_0, %dma_wait3A_27] : memref<10240x128xf32, #tpu.memory_space<vmem_shared>> -> memref<640x128xf32, #tpu.memory_space<vmem_shared>>
      tpu.wait_dma2 semaphore(%run_scoped3A : memref<!tpu.dma_semaphore, #tpu.memory_space<semaphore_mem>>) src(%dma_wait3A_28 : memref<640x128xf32, #tpu.memory_space<vmem_shared>>) dst(%dma_wait3A_26 : memref<640x128xf32, #tpu.memory_space<hbm>>)
      tpu.yield
    }) : () -> ()
    return
  }
}

module attributes {stable_mosaic.version = 14 : i64} {
  func.func @_prep_body(%arg0: i32, %arg1: memref<2x1024xf32, #tpu.memory_space<vmem>>, %arg2: memref<1024x128xf32, #tpu.memory_space<vmem>>, %arg3: memref<1024x128xbf16, #tpu.memory_space<vmem>>) attributes {dimension_semantics = [#tpu.dimension_semantics<arbitrary>], iteration_bounds = array<i64: 10>, scalar_prefetch = 0 : i64, scratch_operands = 0 : i64, tpu.core_type = #tpu.core_type<tc>, window_params = [{transform_indices = @transform_0, window_bounds = array<i64: 2, 1024>}, {transform_indices = @transform_1, window_bounds = array<i64: 1024, 128>}, {transform_indices = @transform_2, window_bounds = array<i64: 1024, 128>}]} {
    %get3A = arith.constant 0 : index
    %get3A_0 = arith.constant 0 : index
    %get3A_1 = vector.load %arg1[%get3A, %get3A_0] : memref<2x1024xf32, #tpu.memory_space<vmem>>, vector<1x1024xf32>
    %get3A_2 = vector.shape_cast %get3A_1 : vector<1x1024xf32> to vector<1024xf32>
    %get3A_3 = arith.constant 1 : index
    %get3A_4 = arith.constant 0 : index
    %get3A_5 = vector.load %arg1[%get3A_3, %get3A_4] : memref<2x1024xf32, #tpu.memory_space<vmem>>, vector<1x1024xf32>
    %get3A_6 = vector.shape_cast %get3A_5 : vector<1x1024xf32> to vector<1024xf32>
    %add3A = arith.addf %get3A_2, %get3A_6 : vector<1024xf32>
    %add3A_7 = arith.constant 1.000000e+00 : f32
    %add3A_8 = vector.broadcast %add3A_7 : f32 to vector<1024xf32>
    %add3A_9 = arith.addf %add3A, %add3A_8 : vector<1024xf32>
    %rsqrt3A = math.rsqrt %add3A_9 : vector<1024xf32>
    %get3A_10 = arith.constant 0 : index
    %get3A_11 = arith.constant 0 : index
    %get3A_12 = vector.load %arg2[%get3A_10, %get3A_11] : memref<1024x128xf32, #tpu.memory_space<vmem>>, vector<1024x128xf32>
    %broadcast_in_dim3A = vector.shape_cast %rsqrt3A : vector<1024xf32> to vector<1024x1xf32>
    %mul3A = vector.broadcast %broadcast_in_dim3A : vector<1024x1xf32> to vector<1024x128xf32>
    %mul3A_13 = arith.mulf %get3A_12, %mul3A : vector<1024x128xf32>
    %convert_element_type3A = arith.truncf %mul3A_13 : vector<1024x128xf32> to vector<1024x128xbf16>
    %swap3A = arith.constant 0 : index
    %swap3A_14 = arith.constant 0 : index
    %swap3A_15 = vector.load %arg3[%swap3A, %swap3A_14] : memref<1024x128xbf16, #tpu.memory_space<vmem>>, vector<1024x128xbf16>
    tpu.vector_store %arg3[%swap3A, %swap3A_14], %convert_element_type3A {strides = array<i32>} : memref<1024x128xbf16, #tpu.memory_space<vmem>>, vector<1024x128xbf16>,
    return
  }
  func.func @transform_0(%arg0: i32) -> (i32, i32) {
    %c0_i32 = arith.constant 0 : i32
    %c0_i32_0 = arith.constant 0 : i32
    return %c0_i32, %arg0 : i32, i32
  }
  func.func @transform_1(%arg0: i32) -> (i32, i32) {
    %c0_i32 = arith.constant 0 : i32
    %c0_i32_0 = arith.constant 0 : i32
    return %arg0, %c0_i32 : i32, i32
  }
  func.func @transform_2(%arg0: i32) -> (i32, i32) {
    %c0_i32 = arith.constant 0 : i32
    %c0_i32_0 = arith.constant 0 : i32
    return %arg0, %c0_i32 : i32, i32
  }
}

module attributes {stable_mosaic.version = 14 : i64} {
  func.func @_out_body(%arg0: i32, %arg1: memref<2x1024xf32, #tpu.memory_space<vmem>>, %arg2: memref<2x1024x128xf32, #tpu.memory_space<vmem>>, %arg3: memref<1024x128xf32, #tpu.memory_space<vmem>>, %arg4: memref<1024x128xf32, #tpu.memory_space<vmem>>, %arg5: memref<128x128xf32, #tpu.memory_space<vmem>>, %arg6: memref<128x128xf32, #tpu.memory_space<vmem>>, %arg7: memref<1024x128xf32, #tpu.memory_space<vmem>>) attributes {dimension_semantics = [#tpu.dimension_semantics<arbitrary>], iteration_bounds = array<i64: 10>, scalar_prefetch = 0 : i64, scratch_operands = 0 : i64, tpu.core_type = #tpu.core_type<tc>, window_params = [{transform_indices = @transform_0, window_bounds = array<i64: 2, 1024>}, {transform_indices = @transform_1, window_bounds = array<i64: 2, 1024, 128>}, {transform_indices = @transform_2, window_bounds = array<i64: 1024, 128>}, {transform_indices = @transform_3, window_bounds = array<i64: 1024, 128>}, {pipeline_mode = #tpu.pipeline_mode<synchronous>, transform_indices = @transform_4, window_bounds = array<i64: 128, 128>}, {pipeline_mode = #tpu.pipeline_mode<synchronous>, transform_indices = @transform_5, window_bounds = array<i64: 128, 128>}, {transform_indices = @transform_6, window_bounds = array<i64: 1024, 128>}]} {
    %get3A = arith.constant 0 : index
    %get3A_0 = arith.constant 0 : index
    %get3A_1 = vector.load %arg1[%get3A, %get3A_0] : memref<2x1024xf32, #tpu.memory_space<vmem>>, vector<1x1024xf32>
    %get3A_2 = vector.shape_cast %get3A_1 : vector<1x1024xf32> to vector<1024xf32>
    %get3A_3 = arith.constant 1 : index
    %get3A_4 = arith.constant 0 : index
    %get3A_5 = vector.load %arg1[%get3A_3, %get3A_4] : memref<2x1024xf32, #tpu.memory_space<vmem>>, vector<1x1024xf32>
    %get3A_6 = vector.shape_cast %get3A_5 : vector<1x1024xf32> to vector<1024xf32>
    %add3A = arith.addf %get3A_2, %get3A_6 : vector<1024xf32>
    %add3A_7 = arith.constant 1.000000e+00 : f32
    %add3A_8 = vector.broadcast %add3A_7 : f32 to vector<1024xf32>
    %add3A_9 = arith.addf %add3A, %add3A_8 : vector<1024xf32>
    %rsqrt3A = math.rsqrt %add3A_9 : vector<1024xf32>
    %get3A_10 = arith.constant 0 : index
    %get3A_11 = arith.constant 0 : index
    %get3A_12 = arith.constant 0 : index
    %get3A_13 = vector.load %arg2[%get3A_10, %get3A_11, %get3A_12] : memref<2x1024x128xf32, #tpu.memory_space<vmem>>, vector<1x1024x128xf32>
    %get3A_14 = vector.shape_cast %get3A_13 : vector<1x1024x128xf32> to vector<1024x128xf32>
    %get3A_15 = arith.constant 1 : index
    %get3A_16 = arith.constant 0 : index
    %get3A_17 = arith.constant 0 : index
    %get3A_18 = vector.load %arg2[%get3A_15, %get3A_16, %get3A_17] : memref<2x1024x128xf32, #tpu.memory_space<vmem>>, vector<1x1024x128xf32>
    %get3A_19 = vector.shape_cast %get3A_18 : vector<1x1024x128xf32> to vector<1024x128xf32>
    %add3A_20 = arith.addf %get3A_14, %get3A_19 : vector<1024x128xf32>
    %broadcast_in_dim3A = vector.shape_cast %rsqrt3A : vector<1024xf32> to vector<1024x1xf32>
    %mul3A = vector.broadcast %broadcast_in_dim3A : vector<1024x1xf32> to vector<1024x128xf32>
    %mul3A_21 = arith.mulf %add3A_20, %mul3A : vector<1024x128xf32>
    %get3A_22 = arith.constant 0 : index
    %get3A_23 = arith.constant 0 : index
    %get3A_24 = vector.load %arg3[%get3A_22, %get3A_23] : memref<1024x128xf32, #tpu.memory_space<vmem>>, vector<1024x128xf32>
    %div3A = arith.constant 1.000000e+00 : f32
    %div3A_25 = vector.broadcast %div3A : f32 to vector<1024xf32>
    %div3A_26 = arith.divf %div3A_25, %add3A_9 : vector<1024xf32>
    %broadcast_in_dim3A_27 = vector.shape_cast %div3A_26 : vector<1024xf32> to vector<1024x1xf32>
    %mul3A_28 = vector.broadcast %broadcast_in_dim3A_27 : vector<1024x1xf32> to vector<1024x128xf32>
    %mul3A_29 = arith.mulf %get3A_24, %mul3A_28 : vector<1024x128xf32>
    %add3A_30 = arith.addf %mul3A_21, %mul3A_29 : vector<1024x128xf32>
    %get3A_31 = arith.constant 0 : index
    %get3A_32 = arith.constant 0 : index
    %get3A_33 = vector.load %arg4[%get3A_31, %get3A_32] : memref<1024x128xf32, #tpu.memory_space<vmem>>, vector<1024x128xf32>
    %mul3A_34 = arith.constant 0.153426409 : f32
    %mul3A_35 = vector.broadcast %mul3A_34 : f32 to vector<1024x128xf32>
    %mul3A_36 = arith.mulf %mul3A_35, %add3A_30 : vector<1024x128xf32>
    %get3A_37 = arith.constant 0 : index
    %get3A_38 = arith.constant 0 : index
    %get3A_39 = vector.load %arg5[%get3A_37, %get3A_38] : memref<128x128xf32, #tpu.memory_space<vmem>>, vector<128x128xf32>
    %dot_general3A = arith.constant dense<0.000000e+00> : vector<1024x128xf32>
    %dot_general3A_40 = tpu.matmul %add3A_30, %get3A_39, %dot_general3A {dimension_numbers = #tpu.dot_dimension_numbers<[1], [0], [0], [1], [0, 0, 1, 1], [], []>, transpose_lhs_hint = false} : vector<1024x128xf32>, vector<128x128xf32>, vector<1024x128xf32> -> vector<1024x128xf32>
    %mul3A_41 = arith.constant 0.693147182 : f32
    %mul3A_42 = vector.broadcast %mul3A_41 : f32 to vector<1024x128xf32>
    %mul3A_43 = arith.mulf %mul3A_42, %dot_general3A_40 : vector<1024x128xf32>
    %add3A_44 = arith.addf %mul3A_36, %mul3A_43 : vector<1024x128xf32>
    %mul3A_45 = arith.constant 0.153426409 : f32
    %mul3A_46 = vector.broadcast %mul3A_45 : f32 to vector<1024x128xf32>
    %mul3A_47 = arith.mulf %mul3A_46, %get3A_33 : vector<1024x128xf32>
    %add3A_48 = arith.addf %add3A_44, %mul3A_47 : vector<1024x128xf32>
    %get3A_49 = arith.constant 0 : index
    %get3A_50 = arith.constant 0 : index
    %get3A_51 = vector.load %arg6[%get3A_49, %get3A_50] : memref<128x128xf32, #tpu.memory_space<vmem>>, vector<128x128xf32>
    %dot_general3A_52 = arith.constant dense<0.000000e+00> : vector<1024x128xf32>
    %dot_general3A_53 = tpu.matmul %get3A_33, %get3A_51, %dot_general3A_52 {dimension_numbers = #tpu.dot_dimension_numbers<[1], [0], [0], [1], [0, 0, 1, 1], [], []>, transpose_lhs_hint = false} : vector<1024x128xf32>, vector<128x128xf32>, vector<1024x128xf32> -> vector<1024x128xf32>
    %mul3A_54 = arith.constant 0.693147182 : f32
    %mul3A_55 = vector.broadcast %mul3A_54 : f32 to vector<1024x128xf32>
    %mul3A_56 = arith.mulf %mul3A_55, %dot_general3A_53 : vector<1024x128xf32>
    %add3A_57 = arith.addf %add3A_48, %mul3A_56 : vector<1024x128xf32>
    %max3A = arith.constant 0.000000e+00 : f32
    %max3A_58 = vector.broadcast %max3A : f32 to vector<1024x128xf32>
    %max3A_59 = arith.maximumf %add3A_57, %max3A_58 : vector<1024x128xf32>
    %swap3A = arith.constant 0 : index
    %swap3A_60 = arith.constant 0 : index
    %swap3A_61 = vector.load %arg7[%swap3A, %swap3A_60] : memref<1024x128xf32, #tpu.memory_space<vmem>>, vector<1024x128xf32>
    tpu.vector_store %arg7[%swap3A, %swap3A_60], %max3A_59 {strides = array<i32>} : memref<1024x128xf32, #tpu.memory_space<vmem>>, vector<1024x128xf32>,
    return
  }
  func.func @transform_0(%arg0: i32) -> (i32, i32) {
    %c0_i32 = arith.constant 0 : i32
    %c0_i32_0 = arith.constant 0 : i32
    return %c0_i32, %arg0 : i32, i32
  }
  func.func @transform_1(%arg0: i32) -> (i32, i32, i32) {
    %c0_i32 = arith.constant 0 : i32
    %c0_i32_0 = arith.constant 0 : i32
    %c0_i32_1 = arith.constant 0 : i32
    return %c0_i32, %arg0, %c0_i32_0 : i32, i32, i32
  }
  func.func @transform_2(%arg0: i32) -> (i32, i32) {
    %c0_i32 = arith.constant 0 : i32
    %c0_i32_0 = arith.constant 0 : i32
    return %arg0, %c0_i32 : i32, i32
  }
  func.func @transform_3(%arg0: i32) -> (i32, i32) {
    %c0_i32 = arith.constant 0 : i32
    %c0_i32_0 = arith.constant 0 : i32
    return %arg0, %c0_i32 : i32, i32
  }
  func.func @transform_4(%arg0: i32) -> (i32, i32) {
    %c0_i32 = arith.constant 0 : i32
    %c0_i32_0 = arith.constant 0 : i32
    %c0_i32_1 = arith.constant 0 : i32
    return %c0_i32, %c0_i32_0 : i32, i32
  }
  func.func @transform_5(%arg0: i32) -> (i32, i32) {
    %c0_i32 = arith.constant 0 : i32
    %c0_i32_0 = arith.constant 0 : i32
    %c0_i32_1 = arith.constant 0 : i32
    return %c0_i32, %c0_i32_0 : i32, i32
  }
  func.func @transform_6(%arg0: i32) -> (i32, i32) {
    %c0_i32 = arith.constant 0 : i32
    %c0_i32_0 = arith.constant 0 : i32
    return %arg0, %c0_i32 : i32, i32
  }
}

</mosaic_0001>

<sc_bundles>
// kernel: kernel.6.cloned.1.call-start
scs
__scs_entry_jumppad:
0x0: {  	(pc) =	sbr.rel $0x88, $3  }
0x1: {  	(tag) =	ssettag $0x0;
	lr =	simm.s32 $0x1  }
0x2: {  	[smem:$0x3F9C] =	sst lr;
	_ =	strace $0xD0000000  }
0x3: {  	_ = 	snop  }
0x4: {  	_ = 	snop  }
0x5: {  	_ = 	snop  }
0x6: {  	_ = 	snop  }
0x7: {  	_ = 	snop  }
__scs_overlays_trampoline_lowered:
0x8: {  	[smem:$0x3FAB] =	sst s0  }
0x9: {  	[smem:$0x3FAC] =	sst s1  }
0xa: {  	[smem:$0x3FAD] =	sst s2  }
0xb: {  	[smem:$0x3FAE] =	sst s3  }
0xc: {  	[smem:$0x3FAF] =	sst s4  }
0xd: {  	[smem:$0x3FB0] =	sst s5  }
0xe: {  	[smem:$0x3FB1] =	sst s6  }
0xf: {  	[smem:$0x3FB2] =	sst s7  }
0x10: {  	[smem:$0x3FB3] =	sst s8  }
0x11: {  	[smem:$0x3FB4] =	sst s9;
	s0 =	simm.s32 @!p0 $0x0  }
0x12: {  	s1 =	sld [smem:$0x3F9A];
	s0 =	simm.s32 @p0 $0x1  }
0x13: {  	[smem:$0x3FB5] =	sst s0;
	s0 =	simm.s32 @!p1 $0x0  }
0x14: {  	s2 =	sld [smem:$0x3F99];
	s0 =	simm.s32 @p1 $0x1  }
0x15: {  	[smem:$0x3FB6] =	sst s0;
	s0 =	simm.s32 @!p2 $0x0  }
0x16: {  	s3 =	sld [smem:$0x3FDB];
	s0 =	simm.s32 @p2 $0x1  }
0x17: {  	s4 =	simm.s32 $0x1BF5;
	[smem:$0x3FB8] =	sst s0  }
0x18: {  	s0 =	sld [smem:$0x3F9B];
	_ =	swait.ge [sflag:s4], $0x0  }
0x19: {  	s7 =	sld [smem:$0x3F9C]  }
0x1a: {  	s8 =	sadd.s32 $0xFFFFE003, lr  }
0x1b: {  	s9 =	sadd.s32 $0xFFFFFEF7, lr;
	s5 =	simm.s32 $0xFFFFFFFF;
	p2 =	slt.u32 s8, $0xFFFFF086  }
0x1c: {  	p1 =	slt.u32 s9, $0xF7A;
	s5 =	simm.s32 @!p2 $0x0  }
0x1d: {  	s5 =	simm.s32 @p1 $0x1;
	p0 =	seq.s32 s7, s2  }
0x1e: {  	s7 =	smul.u32 @!p0 $0xF7A, s2;
	p2 =	seq.s32 @!p0 s5, $0x0  }
0x1f: {  	s9 =	smul.u32 $0xF7A, s1;
	s8 =	simm.s32 @!p0 $0x1BF5;
	p2 =	por !p2, p0  }
0x20: {  	[sflag:s8] =	ssyncset.s32 @!p0 $0xFFFFF086;
	s6 =	sadd.s32 @!p0 s3, s7;
	s7 =	simm.s32 @!p0 $0x108  }
0x21: {  	s3 =	sadd.s32 s3, s9;
	s6 =	sadd.s32 @!p0 $0x88, s6;
	s7 =	simm.s32 @p2 $0x1082  }
0x22: {  	[simem:s7], [sflag:s8] =	dma.local @!p0 [hbm:s6], $0xF7A  }
0x23: {  	s9 =	sor.u32 $0xD0000000, s2;
	s6 =	simm.s32 $0x108;
	_ =	swait.ge @!p0 [sflag:s8], $0x0  }
0x24: {  	s3 =	sadd.s32 $0x88, s3;
	s6 =	simm.s32 @!p1 $0x1082;
	[sflag:s4] =	ssyncset.s32 $0xFFFFF086  }
0x25: {  	[simem:s6], [sflag:s4] =	dma.local [hbm:s3], $0xF7A  }
0x26: {  	[smem:$0x3F9C] =	sst s1;
	(tag) =	ssettag s2;
	_ =	strace s9  }
0x27: {  	s1 =	sld [smem:$0x3FAC]  }
0x28: {  	s2 =	sld [smem:$0x3FAD]  }
0x29: {  	s4 =	sld [smem:$0x3FAF]  }
0x2a: {  	p0 =	seq.s32 s5, $0x0;
	s5 =	sld [smem:$0x3FB0]  }
0x2b: {  	s6 =	sld [smem:$0x3FB1]  }
0x2c: {  	s7 =	sld [smem:$0x3FB2]  }
0x2d: {  	s3 =	simm.s32 $0x108;
	s8 =	sld [smem:$0x3FB3]  }
0x2e: {  	s3 =	simm.s32 @!p0 $0x1082;
	s9 =	sld [smem:$0x3FB4]  }
0x2f: {  	lr =	sadd.s32 s0, s3;
	s0 =	sld [smem:$0x3FAB]  }
0x30: {  	s3 =	sld [smem:$0x3FAE]  }
0x31: {  	[smem:$0x3FB7] =	sst s10  }
0x32: {  	s10 =	sld [smem:$0x3FB5];
	_ =	sdelay $0x3  }
0x33: {  	p0 =	seq.s32 s10, $0x1;
	s10 =	sld [smem:$0x3FB7];
	_ =	sdelay $0x3  }
0x34: {  	[smem:$0x3FB7] =	sst s10  }
0x35: {  	s10 =	sld [smem:$0x3FB6];
	_ =	sdelay $0x3  }
0x36: {  	p1 =	seq.s32 s10, $0x1;
	s10 =	sld [smem:$0x3FB7];
	_ =	sdelay $0x3  }
0x37: {  	[smem:$0x3FB7] =	sst s10  }
0x38: {  	s10 =	sld [smem:$0x3FB8]  }
0x39: {  	_ = 	snop;
	(pc) =	sbr.ind lr, $3  }
0x3a: {  	_ = 	snop  }
0x3b: {  	_ = 	snop  }
0x3c: {  	p2 =	seq.s32 s10, $0x1;
	s10 =	sld [smem:$0x3FB7]  }
0x3d: {  	_ =	shalt  }
0x3e: {  	_ =	shalt  }
0x3f: {  	_ =	shalt  }
0x40: {  	_ =	shalt  }
0x41: {  	_ =	shalt  }
0x42: {  	_ =	shalt  }
0x43: {  	_ =	shalt  }
0x44: {  	_ =	shalt  }
0x45: {  	_ =	shalt  }
0x46: {  	_ =	shalt  }
0x47: {  	_ =	shalt  }
0x48: {  	_ =	shalt  }
0x49: {  	_ =	shalt  }
0x4a: {  	_ =	shalt  }
0x4b: {  	_ =	shalt  }
0x4c: {  	_ =	shalt  }
0x4d: {  	_ =	shalt  }
0x4e: {  	_ =	shalt  }
0x4f: {  	_ =	shalt  }
0x50: {  	_ =	shalt  }
0x51: {  	_ =	shalt  }
0x52: {  	_ =	shalt  }
0x53: {  	_ =	shalt  }
0x54: {  	_ =	shalt  }
0x55: {  	_ =	shalt  }
0x56: {  	_ =	shalt  }
0x57: {  	_ =	shalt  }
0x58: {  	_ =	shalt  }
0x59: {  	_ =	shalt  }
0x5a: {  	_ =	shalt  }
0x5b: {  	_ =	shalt  }
0x5c: {  	_ =	shalt  }
0x5d: {  	_ =	shalt  }
0x5e: {  	_ =	shalt  }
0x5f: {  	_ =	shalt  }
0x60: {  	_ =	shalt  }
0x61: {  	_ =	shalt  }
0x62: {  	_ =	shalt  }
0x63: {  	_ =	shalt  }
0x64: {  	_ =	shalt  }
0x65: {  	_ =	shalt  }
0x66: {  	_ =	shalt  }
0x67: {  	_ =	shalt  }
0x68: {  	_ =	shalt  }
0x69: {  	_ =	shalt  }
0x6a: {  	_ =	shalt  }
0x6b: {  	_ =	shalt  }
0x6c: {  	_ =	shalt  }
0x6d: {  	_ =	shalt  }
0x6e: {  	_ =	shalt  }
0x6f: {  	_ =	shalt  }
0x70: {  	_ =	shalt  }
0x71: {  	_ =	shalt  }
0x72: {  	_ =	shalt  }
0x73: {  	_ =	shalt  }
0x74: {  	_ =	shalt  }
0x75: {  	_ =	shalt  }
0x76: {  	_ =	shalt  }
0x77: {  	_ =	shalt  }
0x78: {  	_ =	shalt  }
0x79: {  	_ =	shalt  }
0x7a: {  	_ =	shalt  }
0x7b: {  	_ =	shalt  }
0x7c: {  	_ =	shalt  }
0x7d: {  	_ =	shalt  }
0x7e: {  	_ =	shalt  }
0x7f: {  	_ =	shalt  }
0x80: {  	_ =	shalt  }
0x81: {  	_ =	shalt  }
0x82: {  	_ =	shalt  }
0x83: {  	_ =	shalt  }
0x84: {  	_ =	shalt  }
0x85: {  	_ =	shalt  }
0x86: {  	_ =	shalt  }
0x87: {  	_ =	shalt  }
.Lfunc_end0:
.L_simem_size_0:
called_computation_lowered:
.L_overlay_start_0:
0x88: {  	s2 =	sld [smem:$0x3FD9]  }
0x89: {  	s3 =	sld [smem:$0x3FFE];
	_ =	sdelay $0x1  }
0x8a: {  	s1 =	srdreg.scid  }
0x8b: {  	s0 =	sand.u32 $0x1, s1  }
0x8c: {  	s17 =	sshll.u32 s0, $0xA;
	s2 =	sadd.s32 s3, s2  }
0x8d: {  	s2 =	sadd.s32 s2, s17  }
0x8e: {  	[smem:$0x3FC3] =	sst s2  }
0x8f: {  	_ = 	snop  }
0x90: {  	s2 =	sld [smem:$0x3FD0];
	(tm) =	ssettm $0x1  }
0x91: {  	s18 =	sld [smem:$0x3FFB];
	_ =	sdelay $0x3  }
0x92: {  	_ =	strace s18  }
0x93: {  	s3 =	sld [smem:$0x3FFC];
	_ =	sdelay $0x3  }
0x94: {  	_ =	strace s3  }
0x95: {  	s3 =	sld [smem:$0x3FFD];
	_ =	sdelay $0x3  }
0x96: {  	_ =	strace s3  }
0x97: {  	_ =	strace $0x8FFFFFFF  }
0x98: {  	s19 =	sld [smem:$0x3FDB];
	_ =	sdelay $0x1  }
0x99: {  	s4 =	simm.s32 $_scs_section_size  }
0x9a: {  	s5 =	simm.s32 $_size__tile_overlayer_lowered;
	s6 =	simm.s32 $_tile_overlayer_lowered  }
0x9b: {  	s22 =	simm.s32 $0x1BFF;
	s21 =	sshll.u32 s6, $0x1;
	s3 =	sadd.s32 s4, s19  }
0x9c: {  	s7 =	simm.s32 $0x0;
	s20 =	sshll.u32 s5, $0x1;
	s5 =	sadd.s32 s21, s3  }
0x9d: {  	[timem:s7], [sflag:s22] =	dma.local [hbm:s5], s20  }
0x9e: {  	_ =	swait.ge [sflag:s22], s20  }
0x9f: {  	s4 =	ssub.s32 $0x0, s20;
	[sflag:s22] =	ssyncset.done $0x0  }
0xa0: {  	[sflag:s22] =	ssyncadd.s32 s4;
	_ =	sdelay $0x1  }
0xa1: {  	s23 =	simm.s32 $0x1B8B  }
0xa2: {  	_ =	swait.ge [sflag:s23], $0x1  }
0xa3: {  	[sflag:s23] =	ssyncset.done $0x0  }
0xa4: {  	s25 =	simm.s32 $0x1B8E;
	s24 =	sld [smem:$0x3FFE];
	[sflag:s23] =	ssyncadd.s32 $0xFFFFFFFF  }
0xa5: {  	s26 =	simm.s32 $execute0_lowered;
	[smem:$0x3FD2] =	sst s25  }
0xa6: {  	s5 =	sshll.u32 s26, $0x1;
	_ =	strace $0x80000046;
	[dreg:$0x1] =	wrdreg $0xFFFFFFFF  }
0xa7: {  	s28 =	simm.s32 $_size_execute0_lowered;
	s3 =	sadd.s32 s3, s5;
	[dreg:$0x0] =	wrdreg $0x0  }
0xa8: {  	s5 =	sshll.u32 s28, $0x1;
	[dreg:$0x2] =	wrdreg s3  }
0xa9: {  	[dreg:$0x3] =	wrdreg s5  }
0xaa: {  	[dreg:$0x4] =	wrdreg $0xC0  }
0xab: {  	_ =	task [dreg:s7], $0x5FFFF  }
0xac: {  	[dreg:$0x1] =	wrdreg $0xFFFFFFFF  }
0xad: {  	[dreg:$0x0] =	wrdreg $0x60  }
0xae: {  	[dreg:$0x2] =	wrdreg s2  }
0xaf: {  	[dreg:$0x3] =	wrdreg s24  }
0xb0: {  	[dreg:$0x4] =	wrdreg $0x0  }
0xb1: {  	[dreg:$0x5] =	wrdreg $0x9  }
0xb2: {  	_ =	task.clear_ibuf [dreg:s7], $0x6FFFF;
	_ =	strace $0x90000046  }
0xb3: {  	s29 =	simm.s32 $0x9;
	_ =	strace $0x80000048  }
0xb4: {  	_ =	swait.ge [sflag:s29], $0x1  }
0xb5: {  	[sflag:s29] =	ssyncadd.s32 $0xFFFFFFFF  }
0xb6: {  	_ =	strace $0x90000048  }
0xb7: {  	_ =	sfence  }
0xb8: {  	s30 =	sld [smem:$0x0];
	_ =	sdelay $0x2  }
0xb9: {  	s31 =	sshll.u32 s1, $0xD;
	s1 =	sshrl.u32 s1, $0x2  }
0xba: {  	s3 =	sand.u32 $0x4000, s31;
	s1 =	sadd.s32 s1, s30  }
0xbb: {  	s0 =	sor.u32 s3, s0;
	s1 =	sshll.u32 s1, $0x11  }
0xbc: {  	s0 =	sor.u32 s1, s0  }
0xbd: {  	s0 =	sadd.s32 $0x8F2B, s0  }
0xbe: {  	[sflag:s0] =	ssyncadd.remote.s32 $0x1  }
0xbf: {  	_ =	sfence.sel $0xFFFF  }
0xc0: {  	[dreg:$0x0] =	wrdreg $0xFFFFFFFF;
	(pc) =	sbr.abs _section_cstart, $3  }
0xc1: {  	[dreg:$0x1] =	wrdreg $0xFFFFFFFF  }
0xc2: {  	_ =	task.clear_ibuf [dreg:s7], $0x2FFFF;
	_ =	strace $0x9FFFFFFF  }
0xc3: {  	(tm) =	ssettm $0x7FFFFFFF  }
tec
execute0_lowered:
.L_overlay_start_1:
0x0: {  	(tag) =	ssettag $0x1  }
0x1: {  	s5 =	rddreg [dreg:$0x0]  }
0x2: {  	s4 =	rddreg [dreg:$0x1]  }
0x3: {  	s2 =	rddreg [dreg:$0x2]  }
0x4: {  	s0 =	rddreg [dreg:$0x3];
	s6 =	srdreg.scid  }
0x5: {  	s1 =	stileid.u32;
	s3 =	simm.s32 $0x0;
	s11 =	simm.s32 $0x80  }
0x6: {  	s12 =	simm.s32 $0x2A80;
	s15 =	simm.s32 $0x20;
	s16 =	simm.s32 $0x10  }
0x7: {  	s17 =	simm.s32 $0x0;
	s6 =	sand.u32 $0x1, s6;
	s7 =	smul.u32 $0x500, s1  }
0x8: {  	[smem:$0x7FF] =	sst s3;
	s9 =	smul.u32 $0xA00, s1;
	s13 =	sshll.u32 s1, $0x6  }
0x9: {  	s8 =	sshll.u32 s6, $0x7;
	_ =	strace $0x80000047;
	s30 =	sshll.u32 s6, $0x4  }
0xa: {  	s6 =	ssub.s32 $0x2, s6;
	s13 =	sor.u32 $0x1C01, s13;
	s7 =	sor.u32 s8, s7  }
0xb: {  	s8 =	sor.u32 s1, s30;
	s10 =	sshrl.u32 s6, $0x1;
	s31 =	sshrl.u32 s9, $0x2  }
0xc: {  	s9 =	simm.s32 $0x1;
	s7 =	sshrl.u32 s7, $0x3;
	s8 =	smul.u32 $0x500, s8  }
0xd: {  	s10 =	ssub.s32 s6, s10;
	s7 =	sadd.s32 s7, s4;
	s4 =	sadd.s32 s31, s2  }
0xe: {  	s5 =	sadd.s32 s5, s8;
	s6 =	sadd.s32 $0x1000, s7;
	s7 =	smax.u32 s10, $0x1  }
0xf: {  	v0 =	vimm.f32 $1.000000000e+00;
	v1 =	vimm.f32 $0.0e+00;
	s8 =	simm.s32 $0x2B00;
	s10 =	simm.s32 $0x280;
	s14 =	sshrl.u32 s4, $0x3  }
.LBB2_1:
0x10: {  	[tilespmem:$0x2A80] =	vst v0  }
0x11: {  	[tilespmem:$0x2A90] =	vst v0  }
0x12: {  	[tilespmem:$0x2AA0] =	vst v0  }
0x13: {  	[tilespmem:$0x2AB0] =	vst v0  }
0x14: {  	[tilespmem:$0x2AC0] =	vst v0  }
0x15: {  	[tilespmem:$0x2AD0] =	vst v0  }
0x16: {  	[tilespmem:$0x2AE0] =	vst v0  }
0x17: {  	[tilespmem:$0x2AF0] =	vst v0  }
0x18: {  	[tilespmem:$0x2B00] =	vst v1  }
0x19: {  	[tilespmem:$0x2B10] =	vst v1  }
0x1a: {  	[tilespmem:$0x2B20] =	vst v1  }
0x1b: {  	[tilespmem:$0x2B30] =	vst v1  }
0x1c: {  	[tilespmem:$0x2B40] =	vst v1  }
0x1d: {  	[tilespmem:$0x2B50] =	vst v1  }
0x1e: {  	[tilespmem:$0x2B60] =	vst v1  }
0x1f: {  	[tilespmem:$0x2B70] =	vst v1  }
0x20: {  	[tilespmem:$0x2B80] =	vst v1  }
0x21: {  	[tilespmem:$0x2B90] =	vst v1  }
0x22: {  	[tilespmem:$0x2BA0] =	vst v1  }
0x23: {  	[tilespmem:$0x2BB0] =	vst v1  }
0x24: {  	[tilespmem:$0x2BC0] =	vst v1  }
0x25: {  	[tilespmem:$0x2BD0] =	vst v1  }
0x26: {  	[tilespmem:$0x2BE0] =	vst v1  }
0x27: {  	[tilespmem:$0x2BF0] =	vst v1  }
0x28: {  	[tilespmem:$0x2C00] =	vst v1  }
0x29: {  	[tilespmem:$0x2C10] =	vst v1  }
0x2a: {  	[tilespmem:$0x2C20] =	vst v1  }
0x2b: {  	[tilespmem:$0x2C30] =	vst v1  }
0x2c: {  	[tilespmem:$0x2C40] =	vst v1  }
0x2d: {  	[tilespmem:$0x2C50] =	vst v1  }
0x2e: {  	[tilespmem:$0x2C60] =	vst v1  }
0x2f: {  	[tilespmem:$0x2C70] =	vst v1  }
0x30: {  	[tilespmem:$0x2C80] =	vst v1  }
0x31: {  	[tilespmem:$0x2C90] =	vst v1  }
0x32: {  	[tilespmem:$0x2CA0] =	vst v1  }
0x33: {  	[tilespmem:$0x2CB0] =	vst v1  }
0x34: {  	[tilespmem:$0x2CC0] =	vst v1  }
0x35: {  	[tilespmem:$0x2CD0] =	vst v1  }
0x36: {  	[tilespmem:$0x2CE0] =	vst v1  }
0x37: {  	[tilespmem:$0x2CF0] =	vst v1  }
0x38: {  	[tilespmem:$0x2D00] =	vst v1  }
0x39: {  	[tilespmem:$0x2D10] =	vst v1  }
0x3a: {  	[tilespmem:$0x2D20] =	vst v1  }
0x3b: {  	[tilespmem:$0x2D30] =	vst v1  }
0x3c: {  	[tilespmem:$0x2D40] =	vst v1  }
0x3d: {  	[tilespmem:$0x2D50] =	vst v1  }
0x3e: {  	[tilespmem:$0x2D60] =	vst v1  }
0x3f: {  	[tilespmem:$0x2D70] =	vst v1  }
0x40: {  	[spmem:s4] =	stream.linear.scatter [tilespmem:s8], [sflag:$0x1], $0x280, $0x38;
	[tilespmem:$0x2D80] =	vst v63  }
0x41: {  	_ =	swait.ge [sflag:s9], $0x280  }
0x42: {  	[sflag:s9] =	ssyncset.done $0x0  }
0x43: {  	[sflag:s9] =	ssyncadd.s32 $0xFFFFFD80  }
0x44: {  	[tilespmem:s10], [sflag:$0x1] =	stream.linear.gather [hbm4b:s5+s3], $0x2780, $0x38;
	[tilespmem:$0x2D80] =	vst v63  }
0x45: {  	_ =	swait.ge [sflag:s9], $0x2780  }
0x46: {  	[sflag:s9] =	ssyncset.done $0x0  }
0x47: {  	[sflag:s9] =	ssyncadd.s32 $0xFFFFD880  }
0x48: {  	s18 =	simm.s32 $0x280;
	[bflag:$0x0] =	sbarrier.arrive $0xFFFF  }
0x49: {  	[spmem:s2] =	stream.indirect.scatter.add.f32 [tilespmem:s12], [sflag:$0x1], $0x1, s18, s11, $0xb8;
	[tilespmem:$0x2D80] =	vst v63  }
0x4a: {  	s18 =	simm.s32 $0x200;
	_ =	swait.ge [sflag:s9], $0x80  }
.LBB2_2:
0x4b: {  	s19 =	sshra.s32 s18, $0x2;
	[sflag:s9] =	ssyncset.done $0x0;
	p0 =	sne.s32 s18, $0x9C00  }
.Ltmp0:
0x4c: {  	s19 =	sadd.s32 $0x280, s19;
	[sflag:s9] =	ssyncadd.s32 $0xFFFFFF80;
	(pc) =	sbr.rel @p0 .LBB2_2-.Ltmp0, $3  }
0x4d: {  	[spmem:s2] =	stream.indirect.scatter.add.f32 [tilespmem:s12], [sflag:$0x1], $0x1, s19, s11, $0xb8;
	[tilespmem:$0x2D80] =	vst v63  }
0x4e: {  	s18 =	sadd.s32 $0x200, s18;
	_ =	sdelay $0x1  }
0x4f: {  	_ =	swait.ge [sflag:s9], $0x80  }
0x50: {  	[sflag:s9] =	ssyncset.done $0x0;
	s17 =	sadd.s32 $0x1, s17  }
0x51: {  	[sflag:s9] =	ssyncadd.s32 $0xFFFFFF80;
	p0 =	sne.s32 s17, s7  }
.Ltmp1:
0x52: {  	[bflag:$0x0] =	sbarrier.arrive $0xFFFF;
	(pc) =	sbr.rel @p0 .LBB2_1-.Ltmp1, $4  }
0x53: {  	[hbm:s6@s15], [sflag:s13] =	dma.strided [spmem:s14@s16], $0x50, s9, $0x10   }
0x54: {  	_ =	swait.ge [sflag:s9], $0x50  }
0x55: {  	[sflag:s9] =	ssyncset.done $0x0  }
0x56: {  	[sflag:s9] =	ssyncadd.s32 $0xFFFFFFB0  }
0x57: {  	_ =	sfence.sel $0x180000  }
0x58: {  	[bflag:$0x0] =	sbarrier.arrive $0xFFFF  }
0x59: {  	p0 =	sne.s32 s1, $0x0;
	_ =	strace $0x90000047  }
0x5a: {  	s0 =	sadd.s32 @!p0 $0x100000, s0;
	[bflag:$0x2] =	sbarrier.arrive $0xFFFF  }
0x5b: {  	[sflag:s0] =	ssyncadd.tile.s32 @!p0 $0x1;
	_ =	shalt  }
.Lfunc_end2:
_tile_overlayer_lowered:
.L_overlay_start_2:
0x5c: {  	(tag) =	ssettag $0x2  }
0x5d: {  	s0 =	rddreg [dreg:$0x0];
	s2 =	stileid.u32  }
0x5e: {  	s1 =	rddreg [dreg:$0x1];
	p0 =	sne.s32 s2, $0x0  }
0x5f: {  	s3 =	rddreg [dreg:$0x2];
	[bflag:$0x3] =	sbarrier.arrive $0xFFFF;
	s2 =	simm.s32 @!p0 $0x1C01  }
0x60: {  	[timem:s3], [sflag:s2] =	dma.local @!p0 [hbm:s0], s1  }
0x61: {  	s0 =	simm.s32 @!p0 $0x1  }
0x62: {  	_ =	swait.ge @!p0 [sflag:s0], s1  }
0x63: {  	s1 =	ssub.s32 @!p0 $0x0, s1;
	[sflag:s0] =	ssyncset.done @!p0 $0x0  }
0x64: {  	[sflag:s0] =	ssyncadd.s32 @!p0 s1  }
0x65: {  	[bflag:$0x3] =	sbarrier.arrive $0xFFFF  }
0x66: {  	_ =	shalt  }

// kernel: kernel.9.cloned.1.call-start
scs
__scs_entry_jumppad:
0x0: {  	(pc) =	sbr.rel $0x88, $3  }
0x1: {  	(tag) =	ssettag $0x0;
	lr =	simm.s32 $0x1  }
0x2: {  	[smem:$0x3F9C] =	sst lr;
	_ =	strace $0xD0000000  }
0x3: {  	_ = 	snop  }
0x4: {  	_ = 	snop  }
0x5: {  	_ = 	snop  }
0x6: {  	_ = 	snop  }
0x7: {  	_ = 	snop  }
__scs_overlays_trampoline_lowered:
0x8: {  	[smem:$0x3FAB] =	sst s0  }
0x9: {  	[smem:$0x3FAC] =	sst s1  }
0xa: {  	[smem:$0x3FAD] =	sst s2  }
0xb: {  	[smem:$0x3FAE] =	sst s3  }
0xc: {  	[smem:$0x3FAF] =	sst s4  }
0xd: {  	[smem:$0x3FB0] =	sst s5  }
0xe: {  	[smem:$0x3FB1] =	sst s6  }
0xf: {  	[smem:$0x3FB2] =	sst s7  }
0x10: {  	[smem:$0x3FB3] =	sst s8  }
0x11: {  	[smem:$0x3FB4] =	sst s9;
	s0 =	simm.s32 @!p0 $0x0  }
0x12: {  	s1 =	sld [smem:$0x3F9A];
	s0 =	simm.s32 @p0 $0x1  }
0x13: {  	[smem:$0x3FB5] =	sst s0;
	s0 =	simm.s32 @!p1 $0x0  }
0x14: {  	s2 =	sld [smem:$0x3F99];
	s0 =	simm.s32 @p1 $0x1  }
0x15: {  	[smem:$0x3FB6] =	sst s0;
	s0 =	simm.s32 @!p2 $0x0  }
0x16: {  	s3 =	sld [smem:$0x3FDB];
	s0 =	simm.s32 @p2 $0x1  }
0x17: {  	s4 =	simm.s32 $0x1BF5;
	[smem:$0x3FB8] =	sst s0  }
0x18: {  	s0 =	sld [smem:$0x3F9B];
	_ =	swait.ge [sflag:s4], $0x0  }
0x19: {  	s7 =	sld [smem:$0x3F9C]  }
0x1a: {  	s8 =	sadd.s32 $0xFFFFE003, lr  }
0x1b: {  	s9 =	sadd.s32 $0xFFFFFEF7, lr;
	s5 =	simm.s32 $0xFFFFFFFF;
	p2 =	slt.u32 s8, $0xFFFFF086  }
0x1c: {  	p1 =	slt.u32 s9, $0xF7A;
	s5 =	simm.s32 @!p2 $0x0  }
0x1d: {  	s5 =	simm.s32 @p1 $0x1;
	p0 =	seq.s32 s7, s2  }
0x1e: {  	s7 =	smul.u32 @!p0 $0xF7A, s2;
	p2 =	seq.s32 @!p0 s5, $0x0  }
0x1f: {  	s9 =	smul.u32 $0xF7A, s1;
	s8 =	simm.s32 @!p0 $0x1BF5;
	p2 =	por !p2, p0  }
0x20: {  	[sflag:s8] =	ssyncset.s32 @!p0 $0xFFFFF086;
	s6 =	sadd.s32 @!p0 s3, s7;
	s7 =	simm.s32 @!p0 $0x108  }
0x21: {  	s3 =	sadd.s32 s3, s9;
	s6 =	sadd.s32 @!p0 $0x88, s6;
	s7 =	simm.s32 @p2 $0x1082  }
0x22: {  	[simem:s7], [sflag:s8] =	dma.local @!p0 [hbm:s6], $0xF7A  }
0x23: {  	s9 =	sor.u32 $0xD0000000, s2;
	s6 =	simm.s32 $0x108;
	_ =	swait.ge @!p0 [sflag:s8], $0x0  }
0x24: {  	s3 =	sadd.s32 $0x88, s3;
	s6 =	simm.s32 @!p1 $0x1082;
	[sflag:s4] =	ssyncset.s32 $0xFFFFF086  }
0x25: {  	[simem:s6], [sflag:s4] =	dma.local [hbm:s3], $0xF7A  }
0x26: {  	[smem:$0x3F9C] =	sst s1;
	(tag) =	ssettag s2;
	_ =	strace s9  }
0x27: {  	s1 =	sld [smem:$0x3FAC]  }
0x28: {  	s2 =	sld [smem:$0x3FAD]  }
0x29: {  	s4 =	sld [smem:$0x3FAF]  }
0x2a: {  	p0 =	seq.s32 s5, $0x0;
	s5 =	sld [smem:$0x3FB0]  }
0x2b: {  	s6 =	sld [smem:$0x3FB1]  }
0x2c: {  	s7 =	sld [smem:$0x3FB2]  }
0x2d: {  	s3 =	simm.s32 $0x108;
	s8 =	sld [smem:$0x3FB3]  }
0x2e: {  	s3 =	simm.s32 @!p0 $0x1082;
	s9 =	sld [smem:$0x3FB4]  }
0x2f: {  	lr =	sadd.s32 s0, s3;
	s0 =	sld [smem:$0x3FAB]  }
0x30: {  	s3 =	sld [smem:$0x3FAE]  }
0x31: {  	[smem:$0x3FB7] =	sst s10  }
0x32: {  	s10 =	sld [smem:$0x3FB5];
	_ =	sdelay $0x3  }
0x33: {  	p0 =	seq.s32 s10, $0x1;
	s10 =	sld [smem:$0x3FB7];
	_ =	sdelay $0x3  }
0x34: {  	[smem:$0x3FB7] =	sst s10  }
0x35: {  	s10 =	sld [smem:$0x3FB6];
	_ =	sdelay $0x3  }
0x36: {  	p1 =	seq.s32 s10, $0x1;
	s10 =	sld [smem:$0x3FB7];
	_ =	sdelay $0x3  }
0x37: {  	[smem:$0x3FB7] =	sst s10  }
0x38: {  	s10 =	sld [smem:$0x3FB8]  }
0x39: {  	_ = 	snop;
	(pc) =	sbr.ind lr, $3  }
0x3a: {  	_ = 	snop  }
0x3b: {  	_ = 	snop  }
0x3c: {  	p2 =	seq.s32 s10, $0x1;
	s10 =	sld [smem:$0x3FB7]  }
0x3d: {  	_ =	shalt  }
0x3e: {  	_ =	shalt  }
0x3f: {  	_ =	shalt  }
0x40: {  	_ =	shalt  }
0x41: {  	_ =	shalt  }
0x42: {  	_ =	shalt  }
0x43: {  	_ =	shalt  }
0x44: {  	_ =	shalt  }
0x45: {  	_ =	shalt  }
0x46: {  	_ =	shalt  }
0x47: {  	_ =	shalt  }
0x48: {  	_ =	shalt  }
0x49: {  	_ =	shalt  }
0x4a: {  	_ =	shalt  }
0x4b: {  	_ =	shalt  }
0x4c: {  	_ =	shalt  }
0x4d: {  	_ =	shalt  }
0x4e: {  	_ =	shalt  }
0x4f: {  	_ =	shalt  }
0x50: {  	_ =	shalt  }
0x51: {  	_ =	shalt  }
0x52: {  	_ =	shalt  }
0x53: {  	_ =	shalt  }
0x54: {  	_ =	shalt  }
0x55: {  	_ =	shalt  }
0x56: {  	_ =	shalt  }
0x57: {  	_ =	shalt  }
0x58: {  	_ =	shalt  }
0x59: {  	_ =	shalt  }
0x5a: {  	_ =	shalt  }
0x5b: {  	_ =	shalt  }
0x5c: {  	_ =	shalt  }
0x5d: {  	_ =	shalt  }
0x5e: {  	_ =	shalt  }
0x5f: {  	_ =	shalt  }
0x60: {  	_ =	shalt  }
0x61: {  	_ =	shalt  }
0x62: {  	_ =	shalt  }
0x63: {  	_ =	shalt  }
0x64: {  	_ =	shalt  }
0x65: {  	_ =	shalt  }
0x66: {  	_ =	shalt  }
0x67: {  	_ =	shalt  }
0x68: {  	_ =	shalt  }
0x69: {  	_ =	shalt  }
0x6a: {  	_ =	shalt  }
0x6b: {  	_ =	shalt  }
0x6c: {  	_ =	shalt  }
0x6d: {  	_ =	shalt  }
0x6e: {  	_ =	shalt  }
0x6f: {  	_ =	shalt  }
0x70: {  	_ =	shalt  }
0x71: {  	_ =	shalt  }
0x72: {  	_ =	shalt  }
0x73: {  	_ =	shalt  }
0x74: {  	_ =	shalt  }
0x75: {  	_ =	shalt  }
0x76: {  	_ =	shalt  }
0x77: {  	_ =	shalt  }
0x78: {  	_ =	shalt  }
0x79: {  	_ =	shalt  }
0x7a: {  	_ =	shalt  }
0x7b: {  	_ =	shalt  }
0x7c: {  	_ =	shalt  }
0x7d: {  	_ =	shalt  }
0x7e: {  	_ =	shalt  }
0x7f: {  	_ =	shalt  }
0x80: {  	_ =	shalt  }
0x81: {  	_ =	shalt  }
0x82: {  	_ =	shalt  }
0x83: {  	_ =	shalt  }
0x84: {  	_ =	shalt  }
0x85: {  	_ =	shalt  }
0x86: {  	_ =	shalt  }
0x87: {  	_ =	shalt  }
.Lfunc_end0:
.L_simem_size_0:
called_computation.1_lowered:
.L_overlay_start_0:
0x88: {  	s2 =	sld [smem:$0x3FD9]  }
0x89: {  	s3 =	sld [smem:$0x3FFE];
	_ =	sdelay $0x1  }
0x8a: {  	s1 =	srdreg.scid  }
0x8b: {  	s0 =	sand.u32 $0x1, s1  }
0x8c: {  	s17 =	sshll.u32 s0, $0xA;
	s2 =	sadd.s32 s3, s2  }
0x8d: {  	s2 =	sadd.s32 s2, s17  }
0x8e: {  	[smem:$0x3FC3] =	sst s2  }
0x8f: {  	_ = 	snop  }
0x90: {  	s2 =	sld [smem:$0x3FD0];
	(tm) =	ssettm $0x1  }
0x91: {  	s18 =	sld [smem:$0x3FFB];
	_ =	sdelay $0x3  }
0x92: {  	_ =	strace s18  }
0x93: {  	s3 =	sld [smem:$0x3FFC];
	_ =	sdelay $0x3  }
0x94: {  	_ =	strace s3  }
0x95: {  	s3 =	sld [smem:$0x3FFD];
	_ =	sdelay $0x3  }
0x96: {  	_ =	strace s3  }
0x97: {  	_ =	strace $0x8FFFFFFF  }
0x98: {  	s19 =	sld [smem:$0x3FDB];
	_ =	sdelay $0x1  }
0x99: {  	s4 =	simm.s32 $_scs_section_size  }
0x9a: {  	s5 =	simm.s32 $_size__tile_overlayer_lowered;
	s6 =	simm.s32 $_tile_overlayer_lowered  }
0x9b: {  	s22 =	simm.s32 $0x1BFF;
	s21 =	sshll.u32 s6, $0x1;
	s3 =	sadd.s32 s4, s19  }
0x9c: {  	s7 =	simm.s32 $0x0;
	s20 =	sshll.u32 s5, $0x1;
	s5 =	sadd.s32 s21, s3  }
0x9d: {  	[timem:s7], [sflag:s22] =	dma.local [hbm:s5], s20  }
0x9e: {  	_ =	swait.ge [sflag:s22], s20  }
0x9f: {  	s4 =	ssub.s32 $0x0, s20;
	[sflag:s22] =	ssyncset.done $0x0  }
0xa0: {  	[sflag:s22] =	ssyncadd.s32 s4;
	_ =	sdelay $0x1  }
0xa1: {  	s23 =	simm.s32 $0x1B8B  }
0xa2: {  	_ =	swait.ge [sflag:s23], $0x1  }
0xa3: {  	[sflag:s23] =	ssyncset.done $0x0  }
0xa4: {  	s25 =	simm.s32 $0x1B8E;
	s24 =	sld [smem:$0x3FFE];
	[sflag:s23] =	ssyncadd.s32 $0xFFFFFFFF  }
0xa5: {  	s26 =	simm.s32 $execute0_lowered;
	[smem:$0x3FD2] =	sst s25  }
0xa6: {  	s5 =	sshll.u32 s26, $0x1;
	_ =	strace $0x80000049;
	[dreg:$0x1] =	wrdreg $0xFFFFFFFF  }
0xa7: {  	s28 =	simm.s32 $_size_execute0_lowered;
	s3 =	sadd.s32 s3, s5;
	[dreg:$0x0] =	wrdreg $0x0  }
0xa8: {  	s5 =	sshll.u32 s28, $0x1;
	[dreg:$0x2] =	wrdreg s3  }
0xa9: {  	[dreg:$0x3] =	wrdreg s5  }
0xaa: {  	[dreg:$0x4] =	wrdreg $0xC0  }
0xab: {  	_ =	task [dreg:s7], $0x5FFFF  }
0xac: {  	[dreg:$0x1] =	wrdreg $0xFFFFFFFF  }
0xad: {  	[dreg:$0x0] =	wrdreg $0x60  }
0xae: {  	[dreg:$0x2] =	wrdreg s2  }
0xaf: {  	[dreg:$0x3] =	wrdreg s24  }
0xb0: {  	[dreg:$0x4] =	wrdreg $0x0  }
0xb1: {  	[dreg:$0x5] =	wrdreg $0x9  }
0xb2: {  	_ =	task.clear_ibuf [dreg:s7], $0x6FFFF;
	_ =	strace $0x90000049  }
0xb3: {  	s29 =	simm.s32 $0x9;
	_ =	strace $0x8000004B  }
0xb4: {  	_ =	swait.ge [sflag:s29], $0x1  }
0xb5: {  	[sflag:s29] =	ssyncadd.s32 $0xFFFFFFFF  }
0xb6: {  	_ =	strace $0x9000004B  }
0xb7: {  	_ =	sfence  }
0xb8: {  	s30 =	sld [smem:$0x0];
	_ =	sdelay $0x2  }
0xb9: {  	s31 =	sshll.u32 s1, $0xD;
	s1 =	sshrl.u32 s1, $0x2  }
0xba: {  	s3 =	sand.u32 $0x4000, s31;
	s1 =	sadd.s32 s1, s30  }
0xbb: {  	s0 =	sor.u32 s3, s0;
	s1 =	sshll.u32 s1, $0x11  }
0xbc: {  	s0 =	sor.u32 s1, s0  }
0xbd: {  	s0 =	sadd.s32 $0x8F2B, s0  }
0xbe: {  	[sflag:s0] =	ssyncadd.remote.s32 $0x1  }
0xbf: {  	_ =	sfence.sel $0xFFFF  }
0xc0: {  	[dreg:$0x0] =	wrdreg $0xFFFFFFFF;
	(pc) =	sbr.abs _section_cstart, $3  }
0xc1: {  	[dreg:$0x1] =	wrdreg $0xFFFFFFFF  }
0xc2: {  	_ =	task.clear_ibuf [dreg:s7], $0x2FFFF;
	_ =	strace $0x9FFFFFFF  }
0xc3: {  	(tm) =	ssettm $0x7FFFFFFF  }
tec
execute0_lowered:
.L_overlay_start_1:
0x0: {  	(tag) =	ssettag $0x1  }
0x1: {  	s1 =	rddreg [dreg:$0x0]  }
0x2: {  	s0 =	rddreg [dreg:$0x1]  }
0x3: {  	s2 =	rddreg [dreg:$0x2]  }
0x4: {  	s3 =	srdreg.scid;
	s4 =	simm.s32 $0x0;
	s12 =	stileid.u32  }
0x5: {  	s20 =	simm.s32 $0x16800;
	s28 =	simm.s32 $0x15800;
	s29 =	simm.s32 $0x1  }
0x6: {  	s30 =	simm.s32 $0x2;
	s31 =	simm.s32 $0x4;
	s9 =	smul.u32 $0x14000, s12  }
0x7: {  	s3 =	sand.u32 $0x1, s3;
	[smem:$0x7FF] =	sst s4;
	s10 =	smul.u32 $0x50000, s12  }
0x8: {  	s5 =	sadd.s32 $0xBA00, s0;
	s6 =	sadd.s32 $0x1A00, s0;
	s7 =	smul.u32 $0x140000, s3  }
0x9: {  	_ =	strace $0x8000004A;
	s8 =	ssub.s32 $0x2, s3;
	s3 =	sshll.u32 s3, $0x4  }
0xa: {  	s13 =	sshrl.u32 s8, $0x1;
	s14 =	sshrl.u32 s10, $0x2;
	s7 =	sadd.s32 s9, s7  }
0xb: {  	s3 =	sor.u32 s12, s3;
	s11 =	ssub.s32 s8, s13;
	s7 =	sshrl.u32 s7, $0x3  }
0xc: {  	s15 =	sadd.s32 s9, s2;
	s21 =	smax.u32 s11, $0x1;
	s0 =	sadd.s32 s7, s0  }
0xd: {  	s7 =	sadd.s32 s14, s2;
	[dreg:$0x5] =	wrdreg s21;
	s0 =	sadd.s32 $0x15A00, s0  }
0xe: {  	s8 =	smul.u32 $0xA, s3;
	s22 =	sadd.s32 $0x2000, s7;
	[dreg:$0x4] =	wrdreg s0  }
0xf: {  	s3 =	simm.s32 $0x3;
	s23 =	sadd.s32 $0x4000, s7;
	[dreg:$0x6] =	wrdreg s22  }
0x10: {  	s21 =	simm.s32 $0x5;
	s24 =	sadd.s32 $0x6000, s7;
	[dreg:$0x7] =	wrdreg s23  }
0x11: {  	s25 =	sadd.s32 $0x8000, s7;
	s26 =	sadd.s32 $0xA000, s7;
	[dreg:$0x8] =	wrdreg s24  }
0x12: {  	s16 =	sadd.s32 $0xC000, s7;
	s17 =	sadd.s32 $0xE000, s7;
	[dreg:$0x9] =	wrdreg s25  }
0x13: {  	s18 =	sadd.s32 $0x10000, s7;
	s19 =	sadd.s32 $0x12000, s7;
	[dreg:$0xa] =	wrdreg s26  }
0x14: {  	s22 =	simm.s32 $0x14000;
	s23 =	simm.s32 $0x14400;
	s24 =	simm.s32 $0x40  }
0x15: {  	v0 =	vimm.f32 $0.0e+00;
	s25 =	sshrl.u32 s15, $0x3;
	s26 =	simm.s32 $0x14800;
	s0 =	simm.s32 $0x18800  }
.LBB2_1:
0x16: {  	s9 =	simm.s32 $0x0;
	s10 =	simm.s32 $0x200  }
.LBB2_2:
0x17: {  	p0 =	sne.s32 s10, $0x7E00;
	[tilespmem:s9+$0x16870] =	vst v0  }
0x18: {  	[tilespmem:s9+$0x16800] =	vst v0  }
0x19: {  	[tilespmem:s9+$0x16810] =	vst v0  }
.Ltmp0:
0x1a: {  	[tilespmem:s9+$0x16820] =	vst v0;
	(pc) =	sbr.rel @p0 .LBB2_2-.Ltmp0, $4  }
0x1b: {  	[tilespmem:s9+$0x16830] =	vst v0  }
0x1c: {  	[tilespmem:s9+$0x16840] =	vst v0  }
0x1d: {  	[tilespmem:s9+$0x16850] =	vst v0  }
0x1e: {  	[tilespmem:s9+$0x16860] =	vst v0;
	s9 =	sshra.s32 s10, $0x2;
	s10 =	sadd.s32 $0x200, s10  }
0x1f: {  	[tilespmem:s9+$0x16870] =	vst v0  }
0x20: {  	[tilespmem:s9+$0x16800] =	vst v0  }
0x21: {  	[tilespmem:s9+$0x16810] =	vst v0  }
0x22: {  	[tilespmem:s9+$0x16820] =	vst v0  }
0x23: {  	[tilespmem:s9+$0x16830] =	vst v0  }
0x24: {  	[tilespmem:s9+$0x16840] =	vst v0  }
0x25: {  	[tilespmem:s9+$0x16850] =	vst v0  }
0x26: {  	[tilespmem:s9+$0x16860] =	vst v0  }
0x27: {  	[spmem:s7] =	stream.linear.scatter [tilespmem:s20], [sflag:$0x5], $0x2000, $0x38;
	[tilespmem:$0x1A800] =	vst v63  }
0x28: {  	_ =	swait.ge [sflag:s21], $0x2000  }
0x29: {  	[sflag:s21] =	ssyncset.done $0x0  }
0x2a: {  	s11 =	rddreg [dreg:$0x6];
	[sflag:s21] =	ssyncadd.s32 $0xFFFFE000  }
0x2b: {  	[spmem:s11] =	stream.linear.scatter [tilespmem:s20], [sflag:$0x5], $0x2000, $0x38;
	[tilespmem:$0x1A800] =	vst v63  }
0x2c: {  	_ =	swait.ge [sflag:s21], $0x2000  }
0x2d: {  	[sflag:s21] =	ssyncset.done $0x0  }
0x2e: {  	s12 =	rddreg [dreg:$0x7];
	[sflag:s21] =	ssyncadd.s32 $0xFFFFE000  }
0x2f: {  	[spmem:s12] =	stream.linear.scatter [tilespmem:s20], [sflag:$0x5], $0x2000, $0x38;
	[tilespmem:$0x1A800] =	vst v63  }
0x30: {  	_ =	swait.ge [sflag:s21], $0x2000  }
0x31: {  	[sflag:s21] =	ssyncset.done $0x0  }
0x32: {  	s13 =	rddreg [dreg:$0x8];
	[sflag:s21] =	ssyncadd.s32 $0xFFFFE000  }
0x33: {  	[spmem:s13] =	stream.linear.scatter [tilespmem:s20], [sflag:$0x5], $0x2000, $0x38;
	[tilespmem:$0x1A800] =	vst v63  }
0x34: {  	_ =	swait.ge [sflag:s21], $0x2000  }
0x35: {  	[sflag:s21] =	ssyncset.done $0x0  }
0x36: {  	s14 =	rddreg [dreg:$0x9];
	[sflag:s21] =	ssyncadd.s32 $0xFFFFE000  }
0x37: {  	[spmem:s14] =	stream.linear.scatter [tilespmem:s20], [sflag:$0x5], $0x2000, $0x38;
	[tilespmem:$0x1A800] =	vst v63  }
0x38: {  	_ =	swait.ge [sflag:s21], $0x2000  }
0x39: {  	[sflag:s21] =	ssyncset.done $0x0  }
0x3a: {  	s15 =	rddreg [dreg:$0xa];
	[sflag:s21] =	ssyncadd.s32 $0xFFFFE000  }
0x3b: {  	[spmem:s15] =	stream.linear.scatter [tilespmem:s20], [sflag:$0x5], $0x2000, $0x38;
	[tilespmem:$0x1A800] =	vst v63  }
0x3c: {  	_ =	swait.ge [sflag:s21], $0x2000  }
0x3d: {  	[sflag:s21] =	ssyncset.done $0x0  }
0x3e: {  	[sflag:s21] =	ssyncadd.s32 $0xFFFFE000  }
0x3f: {  	[spmem:s16] =	stream.linear.scatter [tilespmem:s20], [sflag:$0x5], $0x2000, $0x38;
	[tilespmem:$0x1A800] =	vst v63  }
0x40: {  	_ =	swait.ge [sflag:s21], $0x2000  }
0x41: {  	[sflag:s21] =	ssyncset.done $0x0  }
0x42: {  	[sflag:s21] =	ssyncadd.s32 $0xFFFFE000  }
0x43: {  	[spmem:s17] =	stream.linear.scatter [tilespmem:s20], [sflag:$0x5], $0x2000, $0x38;
	[tilespmem:$0x1A800] =	vst v63  }
0x44: {  	_ =	swait.ge [sflag:s21], $0x2000  }
0x45: {  	[sflag:s21] =	ssyncset.done $0x0  }
0x46: {  	[sflag:s21] =	ssyncadd.s32 $0xFFFFE000  }
0x47: {  	[spmem:s18] =	stream.linear.scatter [tilespmem:s20], [sflag:$0x5], $0x2000, $0x38;
	[tilespmem:$0x1A800] =	vst v63  }
0x48: {  	_ =	swait.ge [sflag:s21], $0x2000  }
0x49: {  	[sflag:s21] =	ssyncset.done $0x0  }
0x4a: {  	[sflag:s21] =	ssyncadd.s32 $0xFFFFE000  }
0x4b: {  	[spmem:s19] =	stream.linear.scatter [tilespmem:s20], [sflag:$0x5], $0x2000, $0x38;
	[tilespmem:$0x1A800] =	vst v63  }
0x4c: {  	_ =	swait.ge [sflag:s21], $0x2000  }
0x4d: {  	[sflag:s21] =	ssyncset.done $0x0  }
0x4e: {  	[sflag:s21] =	ssyncadd.s32 $0xFFFFE000  }
0x4f: {  	s9 =	simm.s32 $0x0;
	s10 =	simm.s32 $0x0;
	[bflag:$0x0] =	sbarrier.arrive $0xFFFF  }
.LBB2_4:
0x50: {  	s11 =	sadd.s32 s8, s10  }
0x51: {  	s11 =	sshll.u32 s11, $0x7  }
0x52: {  	s12 =	sadd.s32 s5, s11  }
0x53: {  	[tilespmem:s22], [sflag:$0x5] =	stream.linear.gather [hbm4b:s12+s9], $0x400, $0x38;
	[tilespmem:$0x1A800] =	vst v63  }
0x54: {  	_ =	swait.ge [sflag:s21], $0x400  }
0x55: {  	[sflag:s21] =	ssyncset.done $0x0  }
0x56: {  	s11 =	sadd.s32 s6, s11;
	[sflag:s21] =	ssyncadd.s32 $0xFFFFFC00  }
0x57: {  	[tilespmem:s23], [sflag:$0x5] =	stream.linear.gather [hbm4b:s11+s9], $0x400, $0x38;
	[tilespmem:$0x1A800] =	vst v63  }
0x58: {  	_ =	swait.ge [sflag:s21], $0x400  }
0x59: {  	[sflag:s21] =	ssyncset.done $0x0  }
0x5a: {  	s11 =	simm.s32 $0x0;
	[sflag:s21] =	ssyncadd.s32 $0xFFFFFC00  }
0x5b: {  	[tilespmem:s26], [sflag:$0x1] =	stream.indirect.gather [hbm4b:s1+s24], $0x40, s22, s24, $0xb8;
	[tilespmem:$0x1A800] =	vst v63  }
.LBB2_5:
0x5c: {  	s12 =	sshll.u32 s11, $0x7  }
0x5d: {  	s13 =	sadd.s32 $0x14040, s12  }
0x5e: {  	[tilespmem:s28], [sflag:$0x2] =	stream.indirect.gather [hbm4b:s1+s24], $0x40, s13, s24, $0xb8;
	[tilespmem:$0x1A800] =	vst v63  }
0x5f: {  	_ =	swait.ge [sflag:s29], $0x1000  }
0x60: {  	p0 =	seq.s32 s11, $0x0;
	[sflag:s29] =	ssyncset.done $0x0  }
0x61: {  	s13 =	simm.s32 @!p0 $0x3;
	[sflag:s29] =	ssyncadd.s32 $0xFFFFF000  }
0x62: {  	_ =	swait.ge @!p0 [sflag:s13], $0x2000  }
0x63: {  	[sflag:s13] =	ssyncset.done @!p0 $0x0  }
0x64: {  	s14 =	simm.s32 $0x0;
	[sflag:s13] =	ssyncadd.s32 @!p0 $0xFFFFE000  }
0x65: {  	v1 =	vld [tilespmem:s14+$0x14800];
	_ =	sdelay $0x4  }
0x66: {  	s13 =	simm.s32 $0x16840;
	v2 =	vshll.u32 v1, $0x10  }
0x67: {  	v1 =	vand.u32 $0xFFFF0000, v1;
	[tilespmem:s13+$0xFFFFFFC0] =	vst v2  }
0x68: {  	[tilespmem:s13+$0xFFFFFFD0] =	vst v1  }
0x69: {  	v1 =	vld [tilespmem:s14+$0x14810];
	_ =	sdelay $0x4  }
0x6a: {  	v2 =	vshll.u32 v1, $0x10  }
0x6b: {  	v1 =	vand.u32 $0xFFFF0000, v1;
	[tilespmem:s13+$0xFFFFFFE0] =	vst v2  }
0x6c: {  	[tilespmem:s13+$0xFFFFFFF0] =	vst v1  }
0x6d: {  	v1 =	vld [tilespmem:s14+$0x14820];
	_ =	sdelay $0x4  }
0x6e: {  	v2 =	vand.u32 $0xFFFF0000, v1  }
0x6f: {  	v1 =	vshll.u32 v1, $0x10;
	[tilespmem:s13+$0x10] =	vst v2  }
0x70: {  	[tilespmem:s13+$0x0] =	vst v1  }
0x71: {  	v1 =	vld [tilespmem:s14+$0x14830];
	_ =	sdelay $0x4  }
0x72: {  	v2 =	vshll.u32 v1, $0x10  }
0x73: {  	v1 =	vand.u32 $0xFFFF0000, v1;
	[tilespmem:s13+$0x20] =	vst v2  }
0x74: {  	s14 =	simm.s32 $0x40;
	[tilespmem:s13+$0x30] =	vst v1  }
0x75: {  	v1 =	vld [tilespmem:s14+$0x14800]  }
0x76: {  	s15 =	simm.s32 $0x200;
	s12 =	sor.u32 $0x40, s12  }
.LBB2_6:
0x77: {  	p1 =	sne.s32 s15, $0x3F00;
	_ =	sdelay $0x2  }
0x78: {  	s13 =	sadd.s32 $0x80, s13;
	v2 =	vshll.u32 v1, $0x10  }
0x79: {  	v1 =	vand.u32 $0xFFFF0000, v1;
	[tilespmem:s13+$0xFFFFFFC0] =	vst v2  }
0x7a: {  	[tilespmem:s13+$0xFFFFFFD0] =	vst v1  }
0x7b: {  	v1 =	vld [tilespmem:s14+$0x14810];
	_ =	sdelay $0x4  }
0x7c: {  	v2 =	vshll.u32 v1, $0x10  }
0x7d: {  	v1 =	vand.u32 $0xFFFF0000, v1;
	[tilespmem:s13+$0xFFFFFFE0] =	vst v2  }
0x7e: {  	[tilespmem:s13+$0xFFFFFFF0] =	vst v1  }
0x7f: {  	v1 =	vld [tilespmem:s14+$0x14820];
	_ =	sdelay $0x4  }
0x80: {  	v2 =	vshll.u32 v1, $0x10;
	v1 =	vand.u32 $0xFFFF0000, v1  }
0x81: {  	[tilespmem:s13+$0x10] =	vst v1  }
0x82: {  	[tilespmem:s13+$0x0] =	vst v2  }
0x83: {  	v1 =	vld [tilespmem:s14+$0x14830];
	_ =	sdelay $0x4  }
.Ltmp1:
0x84: {  	v2 =	vshll.u32 v1, $0x10;
	v1 =	vand.u32 $0xFFFF0000, v1;
	(pc) =	sbr.rel @p1 .LBB2_6-.Ltmp1, $4  }
0x85: {  	[tilespmem:s13+$0x20] =	vst v2  }
0x86: {  	s14 =	sshra.s32 s15, $0x2;
	[tilespmem:s13+$0x30] =	vst v1  }
0x87: {  	v1 =	vld [tilespmem:s14+$0x14800]  }
0x88: {  	s15 =	sadd.s32 $0x100, s15  }
0x89: {  	_ =	sdelay $0x2  }
0x8a: {  	s15 =	sadd.s32 $0x80, s13;
	v2 =	vshll.u32 v1, $0x10  }
0x8b: {  	v1 =	vand.u32 $0xFFFF0000, v1;
	[tilespmem:s15+$0xFFFFFFC0] =	vst v2  }
0x8c: {  	[tilespmem:s15+$0xFFFFFFD0] =	vst v1  }
0x8d: {  	v1 =	vld [tilespmem:s14+$0x14810];
	_ =	sdelay $0x4  }
0x8e: {  	v2 =	vshll.u32 v1, $0x10  }
0x8f: {  	v1 =	vand.u32 $0xFFFF0000, v1;
	[tilespmem:s15+$0xFFFFFFE0] =	vst v2  }
0x90: {  	[tilespmem:s15+$0xFFFFFFF0] =	vst v1  }
0x91: {  	v1 =	vld [tilespmem:s14+$0x14820];
	_ =	sdelay $0x4  }
0x92: {  	v2 =	vand.u32 $0xFFFF0000, v1  }
0x93: {  	v1 =	vshll.u32 v1, $0x10;
	[tilespmem:s15+$0x10] =	vst v2  }
0x94: {  	[tilespmem:s15+$0x0] =	vst v1  }
0x95: {  	v1 =	vld [tilespmem:s14+$0x14830];
	_ =	sdelay $0x2  }
0x96: {  	p1 =	sne.s32 s11, $0x7  }
.Ltmp2:
0x97: {  	_ = 	snop;
	(pc) =	sbr.rel @p1 .LBB2_9-.Ltmp2, $4  }
0x98: {  	s14 =	sshll.u32 s11, $0x9;
	v2 =	vshll.u32 v1, $0x10  }
0x99: {  	s13 =	sshrl.u32 s14, $0x2;
	v1 =	vand.u32 $0xFFFF0000, v1;
	[tilespmem:s15+$0x20] =	vst v2  }
0x9a: {  	[tilespmem:s15+$0x30] =	vst v1;
	s15 =	sadd.s32 $0x14400, s13  }
0x9b: {  	[spmem:s2] =	stream.indirect.scatter.add.f32 [tilespmem:s20], [sflag:$0x3], $0x80, s15, s24, $0xb8;
	[tilespmem:$0x1A800] =	vst v63  }
.Ltmp3:
0x9c: {  	(pc) =	sbr.rel .LBB2_10-.Ltmp3, $4  }
0x9d: {  	_ = 	snop  }
0x9e: {  	_ =	swait.ge [sflag:s30], $0x1000  }
0x9f: {  	[sflag:s30] =	ssyncset.done $0x0  }
0xa0: {  	[sflag:s30] =	ssyncadd.s32 $0xFFFFF000  }
.LBB2_9:
.Ltmp4:
0xa1: {  	s13 =	sadd.s32 $0x14080, s13;
	(pc) =	sbr.rel @p0 .LBB2_11-.Ltmp4, $4  }
0xa2: {  	[tilespmem:s26], [sflag:$0x1] =	stream.indirect.gather [hbm4b:s1+s24], $0x40, s13, s24, $0xb8;
	[tilespmem:$0x1A800] =	vst v63  }
0xa3: {  	_ =	swait.ge [sflag:s30], $0x1000  }
0xa4: {  	[sflag:s30] =	ssyncset.done $0x0  }
0xa5: {  	[sflag:s30] =	ssyncadd.s32 $0xFFFFF000  }
.LBB2_10:
0xa6: {  	_ =	swait.ge [sflag:s31], $0x2000  }
0xa7: {  	[sflag:s31] =	ssyncset.done $0x0  }
0xa8: {  	[sflag:s31] =	ssyncadd.s32 $0xFFFFE000  }
.LBB2_11:
0xa9: {  	s14 =	simm.s32 $0x0  }
0xaa: {  	v1 =	vld [tilespmem:s14+$0x15800];
	_ =	sdelay $0x4  }
0xab: {  	s13 =	simm.s32 $0x18840;
	v2 =	vshll.u32 v1, $0x10  }
0xac: {  	v1 =	vand.u32 $0xFFFF0000, v1;
	[tilespmem:s13+$0xFFFFFFC0] =	vst v2  }
0xad: {  	[tilespmem:s13+$0xFFFFFFD0] =	vst v1  }
0xae: {  	v1 =	vld [tilespmem:s14+$0x15810];
	_ =	sdelay $0x4  }
0xaf: {  	v2 =	vshll.u32 v1, $0x10  }
0xb0: {  	v1 =	vand.u32 $0xFFFF0000, v1;
	[tilespmem:s13+$0xFFFFFFE0] =	vst v2  }
0xb1: {  	[tilespmem:s13+$0xFFFFFFF0] =	vst v1  }
0xb2: {  	v1 =	vld [tilespmem:s14+$0x15820];
	_ =	sdelay $0x4  }
0xb3: {  	v2 =	vand.u32 $0xFFFF0000, v1  }
0xb4: {  	v1 =	vshll.u32 v1, $0x10;
	[tilespmem:s13+$0x10] =	vst v2  }
0xb5: {  	[tilespmem:s13+$0x0] =	vst v1  }
0xb6: {  	v1 =	vld [tilespmem:s14+$0x15830];
	_ =	sdelay $0x4  }
0xb7: {  	v2 =	vshll.u32 v1, $0x10  }
0xb8: {  	v1 =	vand.u32 $0xFFFF0000, v1;
	[tilespmem:s13+$0x20] =	vst v2  }
0xb9: {  	s14 =	simm.s32 $0x40;
	[tilespmem:s13+$0x30] =	vst v1  }
0xba: {  	v1 =	vld [tilespmem:s14+$0x15800]  }
0xbb: {  	s15 =	simm.s32 $0x200  }
.LBB2_12:
0xbc: {  	p0 =	sne.s32 s15, $0x3F00;
	_ =	sdelay $0x2  }
0xbd: {  	s13 =	sadd.s32 $0x80, s13;
	v2 =	vshll.u32 v1, $0x10  }
0xbe: {  	v1 =	vand.u32 $0xFFFF0000, v1;
	[tilespmem:s13+$0xFFFFFFC0] =	vst v2  }
0xbf: {  	[tilespmem:s13+$0xFFFFFFD0] =	vst v1  }
0xc0: {  	v1 =	vld [tilespmem:s14+$0x15810];
	_ =	sdelay $0x4  }
0xc1: {  	v2 =	vshll.u32 v1, $0x10  }
0xc2: {  	v1 =	vand.u32 $0xFFFF0000, v1;
	[tilespmem:s13+$0xFFFFFFE0] =	vst v2  }
0xc3: {  	[tilespmem:s13+$0xFFFFFFF0] =	vst v1  }
0xc4: {  	v1 =	vld [tilespmem:s14+$0x15820];
	_ =	sdelay $0x4  }
0xc5: {  	v2 =	vshll.u32 v1, $0x10;
	v1 =	vand.u32 $0xFFFF0000, v1  }
0xc6: {  	[tilespmem:s13+$0x10] =	vst v1  }
0xc7: {  	[tilespmem:s13+$0x0] =	vst v2  }
0xc8: {  	v1 =	vld [tilespmem:s14+$0x15830];
	_ =	sdelay $0x4  }
.Ltmp5:
0xc9: {  	v2 =	vshll.u32 v1, $0x10;
	v1 =	vand.u32 $0xFFFF0000, v1;
	(pc) =	sbr.rel @p0 .LBB2_12-.Ltmp5, $4  }
0xca: {  	[tilespmem:s13+$0x20] =	vst v2  }
0xcb: {  	s14 =	sshra.s32 s15, $0x2;
	[tilespmem:s13+$0x30] =	vst v1  }
0xcc: {  	v1 =	vld [tilespmem:s14+$0x15800]  }
0xcd: {  	s15 =	sadd.s32 $0x100, s15  }
0xce: {  	_ =	sdelay $0x2  }
0xcf: {  	s13 =	sadd.s32 $0x80, s13;
	v2 =	vshll.u32 v1, $0x10  }
0xd0: {  	v1 =	vand.u32 $0xFFFF0000, v1;
	[tilespmem:s13+$0xFFFFFFC0] =	vst v2  }
0xd1: {  	[tilespmem:s13+$0xFFFFFFD0] =	vst v1  }
0xd2: {  	v1 =	vld [tilespmem:s14+$0x15810];
	_ =	sdelay $0x4  }
0xd3: {  	v2 =	vshll.u32 v1, $0x10  }
0xd4: {  	v1 =	vand.u32 $0xFFFF0000, v1;
	[tilespmem:s13+$0xFFFFFFE0] =	vst v2  }
0xd5: {  	[tilespmem:s13+$0xFFFFFFF0] =	vst v1  }
0xd6: {  	v1 =	vld [tilespmem:s14+$0x15820];
	_ =	sdelay $0x4  }
0xd7: {  	v2 =	vand.u32 $0xFFFF0000, v1  }
0xd8: {  	v1 =	vshll.u32 v1, $0x10;
	[tilespmem:s13+$0x10] =	vst v2  }
0xd9: {  	[tilespmem:s13+$0x0] =	vst v1  }
0xda: {  	v1 =	vld [tilespmem:s14+$0x15830];
	_ =	sdelay $0x1  }
0xdb: {  	s11 =	sadd.s32 $0x1, s11  }
0xdc: {  	p0 =	sne.s32 s11, $0x8  }
.Ltmp6:
0xdd: {  	_ = 	snop;
	(pc) =	sbr.rel @p0 .LBB2_5-.Ltmp6, $4  }
0xde: {  	v2 =	vshll.u32 v1, $0x10  }
0xdf: {  	v1 =	vand.u32 $0xFFFF0000, v1;
	[tilespmem:s13+$0x20] =	vst v2  }
0xe0: {  	s12 =	sadd.s32 $0x14400, s12;
	[tilespmem:s13+$0x30] =	vst v1  }
0xe1: {  	[spmem:s2] =	stream.indirect.scatter.add.f32 [tilespmem:s0], [sflag:$0x4], $0x80, s12, s24, $0xb8;
	[tilespmem:$0x1A800] =	vst v63  }
0xe2: {  	s10 =	sadd.s32 $0x1, s10  }
0xe3: {  	_ =	swait.ge [sflag:s3], $0x2000;
	p0 =	sne.s32 s10, $0xA  }
.Ltmp7:
0xe4: {  	[sflag:s3] =	ssyncset.done $0x0;
	(pc) =	sbr.rel @p0 .LBB2_4-.Ltmp7, $4  }
0xe5: {  	[sflag:s3] =	ssyncadd.s32 $0xFFFFE000  }
0xe6: {  	_ =	swait.ge [sflag:s31], $0x2000  }
0xe7: {  	[sflag:s31] =	ssyncset.done $0x0  }
0xe8: {  	[sflag:s31] =	ssyncadd.s32 $0xFFFFE000  }
0xe9: {  	s9 =	stileid.u32  }
0xea: {  	[bflag:$0x0] =	sbarrier.arrive $0xFFFF;
	s9 =	sshll.u32 s9, $0x6  }
0xeb: {  	s10 =	rddreg [dreg:$0x4];
	s9 =	sor.u32 $0x1C05, s9  }
0xec: {  	[hbm:s10], [sflag:s9] =	dma.local [spmem:s25], $0x2800  }
0xed: {  	_ =	swait.ge [sflag:s21], $0x2800  }
0xee: {  	s4 =	sadd.s32 $0x1, s4;
	s15 =	rddreg [dreg:$0x5]  }
0xef: {  	p0 =	sne.s32 s4, s15  }
.Ltmp8:
0xf0: {  	_ = 	snop;
	(pc) =	sbr.rel @p0 .LBB2_1-.Ltmp8, $3  }
0xf1: {  	_ =	sdelay $0x1  }
0xf2: {  	[sflag:s21] =	ssyncset.done $0x0  }
0xf3: {  	[sflag:s21] =	ssyncadd.s32 $0xFFFFD800  }
0xf4: {  	_ =	sfence.sel $0x180000  }
0xf5: {  	[bflag:$0x0] =	sbarrier.arrive $0xFFFF  }
0xf6: {  	_ =	strace $0x9000004A  }
0xf7: {  	s0 =	stileid.u32;
	[bflag:$0x2] =	sbarrier.arrive $0xFFFF  }
0xf8: {  	p0 =	sne.s32 s0, $0x0;
	s0 =	rddreg [dreg:$0x3]  }
0xf9: {  	s0 =	sadd.s32 @!p0 $0x100000, s0  }
0xfa: {  	[sflag:s0] =	ssyncadd.tile.s32 @!p0 $0x1;
	_ =	shalt  }
.Lfunc_end2:
_tile_overlayer_lowered:
.L_overlay_start_2:
0xfb: {  	(tag) =	ssettag $0x2  }
0xfc: {  	s0 =	rddreg [dreg:$0x0];
	s2 =	stileid.u32  }
0xfd: {  	s1 =	rddreg [dreg:$0x1];
	p0 =	sne.s32 s2, $0x0  }
0xfe: {  	s3 =	rddreg [dreg:$0x2];
	[bflag:$0x3] =	sbarrier.arrive $0xFFFF;
	s2 =	simm.s32 @!p0 $0x1C05  }
0xff: {  	[timem:s3], [sflag:s2] =	dma.local @!p0 [hbm:s0], s1  }
0x100: {  	s0 =	simm.s32 @!p0 $0x5  }
0x101: {  	_ =	swait.ge @!p0 [sflag:s0], s1  }
0x102: {  	s1 =	ssub.s32 @!p0 $0x0, s1;
	[sflag:s0] =	ssyncset.done @!p0 $0x0  }
0x103: {  	[sflag:s0] =	ssyncadd.s32 @!p0 s1  }
0x104: {  	[bflag:$0x3] =	sbarrier.arrive $0xFFFF  }
0x105: {  	_ =	shalt  }

</sc_bundles>
